<compile_context>
chip_gen: v7x
topology: tpu7x:2x2x1
jax: 0.10.2.dev20260603
libtpu: 0.0.44.dev20260713+nightly
codegen_flags: <defaults>
</compile_context>

<pallas_src>
import functools

import jax
import jax.numpy as jnp
from jax import lax
from jax.experimental import pallas as pl
from jax.experimental.pallas import tpu as pltpu
from jax.experimental.pallas import tpu_sc as plsc


def _proj_body(e_ref, w_ref, b_ref, out_ref):
    p = (
        jnp.dot(w_ref[...], e_ref[...], preferred_element_type=jnp.float32)
        + b_ref[...]
    )
    pb = p.astype(jnp.bfloat16)
    u = lax.bitcast_convert_type(pb, jnp.uint16).astype(jnp.uint32)
    packed = u[0] | (u[1] << 16)
    out_ref[...] = packed.reshape(out_ref.shape)


def _project_pack(table_t, w, bias2d, rows):
    d, v = table_t.shape
    cv = 49152
    grid = (v + cv - 1) // cv
    assert rows * 128 == grid * cv and rows % 8 == 0
    return pl.pallas_call(
        _proj_body,
        grid=(grid,),
        in_specs=[
            pl.BlockSpec((d, cv), lambda i: (0, i)),
            pl.BlockSpec((2, d), lambda i: (0, 0)),
            pl.BlockSpec((2, 1), lambda i: (0, 0)),
        ],
        out_specs=pl.BlockSpec((cv // 128, 128), lambda i: (i, 0)),
        out_shape=jax.ShapeDtypeStruct((rows, 128), jnp.uint32),
    )(table_t, w, bias2d)


def _sc_lookup(packed_flat, idx_t, cb):
    info = plsc.get_sparse_core_info()
    nw = info.num_cores * info.num_subcores
    vp = packed_flat.shape[0]
    n_l, n_b = idx_t.shape
    n_bb = n_b // cb
    n_tasks = n_l * n_bb
    tasks_per_w = n_tasks // nw
    assert n_bb * cb == n_b and tasks_per_w * nw == n_tasks
    mesh = plsc.VectorSubcoreMesh(core_axis_name="c", subcore_axis_name="s")

    nt = cb // 128

    @functools.partial(
        pl.kernel,
        mesh=mesh,
        out_type=jax.ShapeDtypeStruct((n_l, n_b // 128, 2, 128), jnp.float32),
        scratch_types=[
            pltpu.VMEM_SHARED((vp,), jnp.uint32),
            pltpu.VMEM((2, cb), jnp.int32),
            pltpu.VMEM((2, cb), jnp.uint32),
            pltpu.VMEM((2, nt, 2, 128), jnp.float32),
            pltpu.SemaphoreType.DMA((2,)),
            pltpu.SemaphoreType.DMA((2,)),
        ],
        compiler_params=pltpu.CompilerParams(use_tc_tiling_on_sc=False),
    )
    def k(p_hbm, idx_hbm, out_hbm, shared, idx_v, words_v, inter_v, sem_g, sem_o):
        sid = lax.axis_index("s")
        wid = sid * info.num_cores + lax.axis_index("c")
        t0 = wid * tasks_per_w
        tpw = tasks_per_w

        def task_lb(t):
            return t // n_bb, (t % n_bb) * cb

        @pl.when(sid == 0)
        def _load_table():
            pltpu.sync_copy(p_hbm, shared)

        plsc.subcore_barrier()

        def fire_gather(s):
            pltpu.async_copy(shared.at[idx_v.at[s]], words_v.at[s], sem_g.at[s])

        def wait_gather(s):
            pltpu.make_async_copy(
                shared.at[idx_v.at[s]], words_v.at[s], sem_g.at[s]
            ).wait()

        l0, b00 = task_lb(t0)
        pltpu.sync_copy(idx_hbm.at[l0, pl.ds(b00, cb)], idx_v.at[0])
        fire_gather(0)

        def step(kk, carry):
            t = t0 + kk
            slot = lax.rem(kk, 2)
            nslot = lax.rem(kk + 1, 2)
            l, b0 = task_lb(t)

            @pl.when(kk >= 2)
            def _drain_prev():
                l2, b02 = task_lb(t - 2)
                pltpu.make_async_copy(
                    inter_v.at[slot],
                    out_hbm.at[l2, pl.ds(b02 // 128, nt)],
                    sem_o.at[slot],
                ).wait()

            @pl.when(kk + 1 < tpw)
            def _prefetch_next():
                l1, b01 = task_lb(t + 1)
                pltpu.sync_copy(idx_hbm.at[l1, pl.ds(b01, cb)], idx_v.at[nslot])
                fire_gather(nslot)

            wait_gather(slot)

            def unpack_bt(bt, c):
                for jj in range(8):
                    off = bt * 128 + jj * 16
                    w1 = words_v[slot, pl.ds(off, 16)]
                    sixteen = jnp.full((16,), 16, jnp.uint32)
                    inter_v[slot, bt, 0, pl.ds(jj * 16, 16)] = (
                        lax.bitcast_convert_type(
                            lax.shift_left(w1, sixteen), jnp.float32
                        )
                    )
                    w2 = words_v[slot, pl.ds(off, 16)]
                    himask = jnp.full((16,), 0xFFFF0000, jnp.uint32)
                    inter_v[slot, bt, 1, pl.ds(jj * 16, 16)] = (
                        lax.bitcast_convert_type(w2 & himask, jnp.float32)
                    )
                return c

            lax.fori_loop(0, nt, unpack_bt, 0)
            pltpu.async_copy(
                inter_v.at[slot], out_hbm.at[l, pl.ds(b0 // 128, nt)], sem_o.at[slot]
            )
            return carry

        lax.fori_loop(0, tpw, step, 0)

        for d in (2, 1):
            if tpw >= d:
                td = t0 + tpw - d
                ld, b0d = task_lb(td)
                sd = (tpw - d) % 2
                pltpu.make_async_copy(
                    inter_v.at[sd],
                    out_hbm.at[ld, pl.ds(b0d // 128, nt)],
                    sem_o.at[sd],
                ).wait()

    return k(packed_flat, idx_t)


def kernel(input, embedding_weight, fc_weight, fc_bias):
    b, l = input.shape
    num_classes = fc_weight.shape[0]
    assert num_classes == 2
    bias2d = fc_bias.reshape(num_classes, 1)
    packed = _project_pack(embedding_weight.T, fc_weight, bias2d, rows=8064)
    packed_flat = jnp.reshape(packed, (-1,))
    out4 = _sc_lookup(packed_flat, input.T, cb=4096)
    out_p = jnp.transpose(out4, (1, 3, 0, 2))
    return jnp.reshape(out_p, (b, l, num_classes))

# --- scband reference (transcript-rebuilt; emitter-appended) ---
"""Pipeline reference for scband-text-classification-model-57509612093443 (READ-ONLY COPY).

The authoritative reference and input builder live on the scoring server;
editing this copy changes nothing except your own understanding.
"""

import jax, jax.numpy as jnp
import numpy as np

VOCAB = 1000000
EMBED_DIM = 64
NUM_CLASSES = 2

def setup_inputs(seed: int = 0) -> dict:
    key = jax.random.key(seed)
    k_idx, k_emb, k_fc = jax.random.split(key, 3)
    input = jax.random.randint(k_idx, (16384, 200), 0, VOCAB, dtype=jnp.int64 if jax.config.jax_enable_x64 else jnp.int32).astype(jnp.int32)
    initrange = 0.5
    embedding_weight = jax.random.uniform(k_emb, (VOCAB, EMBED_DIM), dtype=jnp.float32, minval=-initrange, maxval=initrange)
    fc_weight = jax.random.uniform(k_fc, (NUM_CLASSES, EMBED_DIM), dtype=jnp.float32, minval=-initrange, maxval=initrange)
    fc_bias = jnp.zeros((NUM_CLASSES,), dtype=jnp.float32)
    return {"input": input, "embedding_weight": embedding_weight, "fc_weight": fc_weight, "fc_bias": fc_bias}

def reference(input, embedding_weight, fc_weight, fc_bias):
    # embedded = self.embedding(input)
    embedded = jnp.take(embedding_weight, input, axis=0)  # [B, L, D]
    # return self.fc(embedded)
    out = jnp.einsum('bld,cd->blc', embedded, fc_weight) + fc_bias
    return out

if __name__ == "__main__":
    import jax
    _d = setup_inputs()
    print(jax.jit(kernel)(*tuple(_d.values())))

</pallas_src>

<mosaic_0001>
#map = affine_map<(d0, d1) -> (0)>
#map1 = affine_map<(d0, d1) -> (0, 0)>
#map2 = affine_map<(d0, d1) -> (0, 0, 0, 0)>
module attributes {stable_mosaic.version = 14 : i64} {
  func.func @k(%arg0: i32, %arg1: i32, %arg2: memref<1032192xi32, #tpu.memory_space<hbm>>, %arg3: memref<200x16384xi32, #tpu.memory_space<hbm>>, %arg4: memref<200x128x2x128xf32, #tpu.memory_space<hbm>>, %arg5: memref<1032192xi32, #tpu.memory_space<vmem_shared>>, %arg6: memref<2x4096xi32, #tpu.memory_space<vmem>>, %arg7: memref<2x4096xi32, #tpu.memory_space<vmem>>, %arg8: memref<2x32x2x128xf32, #tpu.memory_space<vmem>>, %arg9: memref<2x!tpu.dma_semaphore, #tpu.memory_space<semaphore_mem>>, %arg10: memref<2x!tpu.dma_semaphore, #tpu.memory_space<semaphore_mem>>) attributes {dimension_semantics = [#tpu.dimension_semantics<core_parallel>, #tpu.dimension_semantics<subcore_parallel>], iteration_bounds = array<i64: 2, 16>, scalar_prefetch = 0 : i64, scratch_operands = 6 : i64, tpu.core_type = #tpu.core_type<sc_vector_subcore>, window_params = [{transform_indices = #map}, {transform_indices = #map1}, {transform_indices = #map2}]} {
    %mul3A = arith.constant 2 : i32
    %mul3A_0 = arith.muli %arg1, %mul3A : i32
    %add3A = arith.addi %mul3A_0, %arg0 : i32
    %mul3A_1 = arith.constant 25 : i32
    %mul3A_2 = arith.muli %add3A, %mul3A_1 : i32
    %eq3A = arith.constant 0 : i32
    %eq3A_3 = arith.cmpi eq, %arg1, %eq3A : i32
    %convert_element_type3A = arith.extui %eq3A_3 : i1 to i32
    %cond3A = arith.constant 0 : i32
    %cond3A_4 = arith.cmpi ne, %convert_element_type3A, %cond3A : i32
    scf.if %cond3A_4 {
      "tpu.region"() ({
        %run_scoped3A_238 = tpu.sem_alloc : memref<!tpu.dma_semaphore, #tpu.memory_space<semaphore_mem>>
        tpu.enqueue_dma source(%arg2 : memref<1032192xi32, #tpu.memory_space<hbm>>) target(%arg5 : memref<1032192xi32, #tpu.memory_space<vmem_shared>>) target_semaphore(%run_scoped3A_238 : memref<!tpu.dma_semaphore, #tpu.memory_space<semaphore_mem>>)
        tpu.wait_dma2 semaphore(%run_scoped3A_238 : memref<!tpu.dma_semaphore, #tpu.memory_space<semaphore_mem>>) src(%arg2 : memref<1032192xi32, #tpu.memory_space<hbm>>) dst(%arg5 : memref<1032192xi32, #tpu.memory_space<vmem_shared>>)
        tpu.yield
      }) : () -> ()
    } else {
    }
    %barrier3A = arith.constant 0 : index
    tpu.barrier barrier_id(%barrier3A)
    %jit3A = arith.constant 4 : i32
    %div3A = arith.divsi %mul3A_2, %jit3A : i32
    %sign3A = arith.constant 0 : i32
    %sign3A_5 = arith.cmpi sgt, %mul3A_2, %sign3A : i32
    %sign3A_6 = arith.extui %sign3A_5 : i1 to i32
    %sign3A_7 = arith.constant 0 : i32
    %sign3A_8 = arith.cmpi slt, %mul3A_2, %sign3A_7 : i32
    %sign3A_9 = arith.extui %sign3A_8 : i1 to i32
    %sign3A_10 = arith.subi %sign3A_6, %sign3A_9 : i32
    %sign3A_11 = arith.constant 0 : i32
    %sign3A_12 = arith.cmpi sgt, %jit3A, %sign3A_11 : i32
    %sign3A_13 = arith.extui %sign3A_12 : i1 to i32
    %sign3A_14 = arith.constant 0 : i32
    %sign3A_15 = arith.cmpi slt, %jit3A, %sign3A_14 : i32
    %sign3A_16 = arith.extui %sign3A_15 : i1 to i32
    %sign3A_17 = arith.subi %sign3A_13, %sign3A_16 : i32
    %ne3A = arith.cmpi ne, %sign3A_10, %sign3A_17 : i32
    %rem3A = arith.remsi %mul3A_2, %jit3A : i32
    %ne3A_18 = arith.constant 0 : i32
    %ne3A_19 = arith.cmpi ne, %rem3A, %ne3A_18 : i32
    %and3A = arith.andi %ne3A, %ne3A_19 : i1
    %sub3A = arith.constant 1 : i32
    %sub3A_20 = arith.subi %div3A, %sub3A : i32
    %select_n3A = arith.select %and3A, %sub3A_20, %div3A : i32
    %jit3A_21 = arith.constant 4 : i32
    %eq3A_22 = arith.constant 0 : i32
    %eq3A_23 = arith.cmpi eq, %jit3A_21, %eq3A_22 : i32
    %jit3A_24 = arith.constant 1 : i32
    %select_n3A_25 = arith.select %eq3A_23, %jit3A_24, %jit3A_21 : i32
    %rem3A_26 = arith.remsi %mul3A_2, %select_n3A_25 : i32
    %ne3A_27 = arith.constant 0 : i32
    %ne3A_28 = arith.cmpi ne, %rem3A_26, %ne3A_27 : i32
    %lt3A = arith.constant 0 : i32
    %lt3A_29 = arith.cmpi slt, %rem3A_26, %lt3A : i32
    %lt3A_30 = arith.constant 0 : i32
    %lt3A_31 = arith.cmpi slt, %select_n3A_25, %lt3A_30 : i32
    %ne3A_32 = arith.xori %lt3A_29, %lt3A_31 : i1
    %and3A_33 = arith.andi %ne3A_32, %ne3A_28 : i1
    %add3A_34 = arith.addi %rem3A_26, %select_n3A_25 : i32
    %select_n3A_35 = arith.select %and3A_33, %add3A_34, %rem3A_26 : i32
    %mul3A_36 = arith.constant 4096 : i32
    %mul3A_37 = arith.muli %select_n3A_35, %mul3A_36 : i32
    %run_scoped3A = arith.constant 0 : i32
    "tpu.region"() ({
      %run_scoped3A_238 = tpu.sem_alloc : memref<!tpu.dma_semaphore, #tpu.memory_space<semaphore_mem>>
      %dma_start3A_239 = arith.constant 0 : i32
      %dma_start3A_240 = tpu.memref_slice %arg6[%run_scoped3A, %dma_start3A_239] : memref<2x4096xi32, #tpu.memory_space<vmem>> -> memref<1x4096xi32, #tpu.memory_space<vmem>>
      %dma_start3A_241 = tpu.memref_squeeze %dma_start3A_240 : memref<1x4096xi32, #tpu.memory_space<vmem>> -> memref<4096xi32, #tpu.memory_space<vmem>>
      %dma_start3A_242 = tpu.memref_slice %arg3[%select_n3A, %mul3A_37] : memref<200x16384xi32, #tpu.memory_space<hbm>> -> memref<1x4096xi32, #tpu.memory_space<hbm>>
      %dma_start3A_243 = tpu.memref_squeeze %dma_start3A_242 : memref<1x4096xi32, #tpu.memory_space<hbm>> -> memref<4096xi32, #tpu.memory_space<hbm>>
      %dma_start3A_244 = arith.constant 0 : i32
      %dma_start3A_245 = tpu.memref_slice %arg6[%run_scoped3A, %dma_start3A_244] : memref<2x4096xi32, #tpu.memory_space<vmem>> -> memref<1x4096xi32, #tpu.memory_space<vmem>>
      %dma_start3A_246 = tpu.memref_squeeze %dma_start3A_245 : memref<1x4096xi32, #tpu.memory_space<vmem>> -> memref<4096xi32, #tpu.memory_space<vmem>>
      %dma_start3A_247 = tpu.memref_slice %arg3[%select_n3A, %mul3A_37] : memref<200x16384xi32, #tpu.memory_space<hbm>> -> memref<1x4096xi32, #tpu.memory_space<hbm>>
      %dma_start3A_248 = tpu.memref_squeeze %dma_start3A_247 : memref<1x4096xi32, #tpu.memory_space<hbm>> -> memref<4096xi32, #tpu.memory_space<hbm>>
      tpu.enqueue_dma source(%dma_start3A_248 : memref<4096xi32, #tpu.memory_space<hbm>>) target(%dma_start3A_246 : memref<4096xi32, #tpu.memory_space<vmem>>) target_semaphore(%run_scoped3A_238 : memref<!tpu.dma_semaphore, #tpu.memory_space<semaphore_mem>>)
      %dma_wait3A_249 = arith.constant 0 : i32
      %dma_wait3A_250 = tpu.memref_slice %arg6[%run_scoped3A, %dma_wait3A_249] : memref<2x4096xi32, #tpu.memory_space<vmem>> -> memref<1x4096xi32, #tpu.memory_space<vmem>>
      %dma_wait3A_251 = tpu.memref_squeeze %dma_wait3A_250 : memref<1x4096xi32, #tpu.memory_space<vmem>> -> memref<4096xi32, #tpu.memory_space<vmem>>
      %dma_wait3A_252 = tpu.memref_slice %arg3[%select_n3A, %mul3A_37] : memref<200x16384xi32, #tpu.memory_space<hbm>> -> memref<1x4096xi32, #tpu.memory_space<hbm>>
      %dma_wait3A_253 = tpu.memref_squeeze %dma_wait3A_252 : memref<1x4096xi32, #tpu.memory_space<hbm>> -> memref<4096xi32, #tpu.memory_space<hbm>>
      %dma_wait3A_254 = arith.constant 0 : i32
      %dma_wait3A_255 = tpu.memref_slice %arg6[%run_scoped3A, %dma_wait3A_254] : memref<2x4096xi32, #tpu.memory_space<vmem>> -> memref<1x4096xi32, #tpu.memory_space<vmem>>
      %dma_wait3A_256 = tpu.memref_squeeze %dma_wait3A_255 : memref<1x4096xi32, #tpu.memory_space<vmem>> -> memref<4096xi32, #tpu.memory_space<vmem>>
      %dma_wait3A_257 = tpu.memref_slice %arg3[%select_n3A, %mul3A_37] : memref<200x16384xi32, #tpu.memory_space<hbm>> -> memref<1x4096xi32, #tpu.memory_space<hbm>>
      %dma_wait3A_258 = tpu.memref_squeeze %dma_wait3A_257 : memref<1x4096xi32, #tpu.memory_space<hbm>> -> memref<4096xi32, #tpu.memory_space<hbm>>
      tpu.wait_dma2 semaphore(%run_scoped3A_238 : memref<!tpu.dma_semaphore, #tpu.memory_space<semaphore_mem>>) src(%dma_wait3A_258 : memref<4096xi32, #tpu.memory_space<hbm>>) dst(%dma_wait3A_256 : memref<4096xi32, #tpu.memory_space<vmem>>)
      tpu.yield
    }) : () -> ()
    %dma_start3A = arith.constant 0 : i32
    %dma_start3A_38 = arith.constant 0 : i32
    %dma_start3A_39 = arith.constant 0 : i32
    %dma_start3A_40 = arith.constant 0 : i32
    %dma_start3A_41 = tpu.memref_slice %arg7[%dma_start3A_38, %dma_start3A_40] : memref<2x4096xi32, #tpu.memory_space<vmem>> -> memref<1x4096xi32, #tpu.memory_space<vmem>>
    %dma_start3A_42 = tpu.memref_squeeze %dma_start3A_41 : memref<1x4096xi32, #tpu.memory_space<vmem>> -> memref<4096xi32, #tpu.memory_space<vmem>>
    %dma_start3A_43 = arith.constant 0 : i32
    %dma_start3A_44 = tpu.memref_slice %arg6[%dma_start3A, %dma_start3A_43] : memref<2x4096xi32, #tpu.memory_space<vmem>> -> memref<1x4096xi32, #tpu.memory_space<vmem>>
    %dma_start3A_45 = tpu.memref_squeeze %dma_start3A_44 : memref<1x4096xi32, #tpu.memory_space<vmem>> -> memref<4096xi32, #tpu.memory_space<vmem>>
    %dma_start3A_46 = arith.constant 0 : i32
    %dma_start3A_47 = tpu.memref_slice %arg5[%dma_start3A_46] : memref<1032192xi32, #tpu.memory_space<vmem_shared>> -> memref<1032192xi32, #tpu.memory_space<vmem_shared>>
    %dma_start3A_48 = tpu.memref_slice %arg9[%dma_start3A_39] : memref<2x!tpu.dma_semaphore, #tpu.memory_space<semaphore_mem>> -> memref<1x!tpu.dma_semaphore, #tpu.memory_space<semaphore_mem>>
    %dma_start3A_49 = tpu.memref_squeeze %dma_start3A_48 : memref<1x!tpu.dma_semaphore, #tpu.memory_space<semaphore_mem>> -> memref<!tpu.dma_semaphore, #tpu.memory_space<semaphore_mem>>
    tpu.enqueue_indirect_dma source(%dma_start3A_47 : memref<1032192xi32, #tpu.memory_space<vmem_shared>>) target(%dma_start3A_42 : memref<4096xi32, #tpu.memory_space<vmem>>) offsets(%dma_start3A_45 : memref<4096xi32, #tpu.memory_space<vmem>>) semaphore(%dma_start3A_49 : memref<!tpu.dma_semaphore, #tpu.memory_space<semaphore_mem>>)
    %scan3A = arith.constant 0 : i32
    %scan3A_50 = arith.constant 0 : i32
    %scan3A_51 = arith.constant 25 : i32
    %scan3A_52 = arith.addi %scan3A_50, %scan3A_51 : i32
    %scan3A_53 = arith.constant 1 : i32
    scf.for %scan3A_238 = %scan3A_50 to %scan3A_52 step %scan3A_53  : i32 {
      %add3A_239 = arith.addi %mul3A_2, %scan3A_238 : i32
      %rem3A_240 = arith.constant 2 : i32
      %rem3A_241 = arith.remsi %scan3A_238, %rem3A_240 : i32
      %add3A_242 = arith.constant 1 : i32
      %add3A_243 = arith.addi %scan3A_238, %add3A_242 : i32
      %rem3A_244 = arith.constant 2 : i32
      %rem3A_245 = arith.remsi %add3A_243, %rem3A_244 : i32
      %jit3A_246 = arith.constant 4 : i32
      %div3A_247 = arith.divsi %add3A_239, %jit3A_246 : i32
      %sign3A_248 = arith.constant 0 : i32
      %sign3A_249 = arith.cmpi sgt, %add3A_239, %sign3A_248 : i32
      %sign3A_250 = arith.extui %sign3A_249 : i1 to i32
      %sign3A_251 = arith.constant 0 : i32
      %sign3A_252 = arith.cmpi slt, %add3A_239, %sign3A_251 : i32
      %sign3A_253 = arith.extui %sign3A_252 : i1 to i32
      %sign3A_254 = arith.subi %sign3A_250, %sign3A_253 : i32
      %sign3A_255 = arith.constant 0 : i32
      %sign3A_256 = arith.cmpi sgt, %jit3A_246, %sign3A_255 : i32
      %sign3A_257 = arith.extui %sign3A_256 : i1 to i32
      %sign3A_258 = arith.constant 0 : i32
      %sign3A_259 = arith.cmpi slt, %jit3A_246, %sign3A_258 : i32
      %sign3A_260 = arith.extui %sign3A_259 : i1 to i32
      %sign3A_261 = arith.subi %sign3A_257, %sign3A_260 : i32
      %ne3A_262 = arith.cmpi ne, %sign3A_254, %sign3A_261 : i32
      %rem3A_263 = arith.remsi %add3A_239, %jit3A_246 : i32
      %ne3A_264 = arith.constant 0 : i32
      %ne3A_265 = arith.cmpi ne, %rem3A_263, %ne3A_264 : i32
      %and3A_266 = arith.andi %ne3A_262, %ne3A_265 : i1
      %sub3A_267 = arith.constant 1 : i32
      %sub3A_268 = arith.subi %div3A_247, %sub3A_267 : i32
      %select_n3A_269 = arith.select %and3A_266, %sub3A_268, %div3A_247 : i32
      %jit3A_270 = arith.constant 4 : i32
      %eq3A_271 = arith.constant 0 : i32
      %eq3A_272 = arith.cmpi eq, %jit3A_270, %eq3A_271 : i32
      %jit3A_273 = arith.constant 1 : i32
      %select_n3A_274 = arith.select %eq3A_272, %jit3A_273, %jit3A_270 : i32
      %rem3A_275 = arith.remsi %add3A_239, %select_n3A_274 : i32
      %ne3A_276 = arith.constant 0 : i32
      %ne3A_277 = arith.cmpi ne, %rem3A_275, %ne3A_276 : i32
      %lt3A_278 = arith.constant 0 : i32
      %lt3A_279 = arith.cmpi slt, %rem3A_275, %lt3A_278 : i32
      %lt3A_280 = arith.constant 0 : i32
      %lt3A_281 = arith.cmpi slt, %select_n3A_274, %lt3A_280 : i32
      %ne3A_282 = arith.xori %lt3A_279, %lt3A_281 : i1
      %and3A_283 = arith.andi %ne3A_282, %ne3A_277 : i1
      %add3A_284 = arith.addi %rem3A_275, %select_n3A_274 : i32
      %select_n3A_285 = arith.select %and3A_283, %add3A_284, %rem3A_275 : i32
      %mul3A_286 = arith.constant 4096 : i32
      %mul3A_287 = arith.muli %select_n3A_285, %mul3A_286 : i32
      %ge3A = arith.constant 2 : i32
      %ge3A_288 = arith.cmpi sge, %scan3A_238, %ge3A : i32
      %convert_element_type3A_289 = arith.extui %ge3A_288 : i1 to i32
      %cond3A_290 = arith.constant 0 : i32
      %cond3A_291 = arith.cmpi ne, %convert_element_type3A_289, %cond3A_290 : i32
      scf.if %cond3A_291 {
        %sub3A_359 = arith.constant 2 : i32
        %sub3A_360 = arith.subi %add3A_239, %sub3A_359 : i32
        %jit3A_361 = arith.constant 4 : i32
        %div3A_362 = arith.divsi %sub3A_360, %jit3A_361 : i32
        %sign3A_363 = arith.constant 0 : i32
        %sign3A_364 = arith.cmpi sgt, %sub3A_360, %sign3A_363 : i32
        %sign3A_365 = arith.extui %sign3A_364 : i1 to i32
        %sign3A_366 = arith.constant 0 : i32
        %sign3A_367 = arith.cmpi slt, %sub3A_360, %sign3A_366 : i32
        %sign3A_368 = arith.extui %sign3A_367 : i1 to i32
        %sign3A_369 = arith.subi %sign3A_365, %sign3A_368 : i32
        %sign3A_370 = arith.constant 0 : i32
        %sign3A_371 = arith.cmpi sgt, %jit3A_361, %sign3A_370 : i32
        %sign3A_372 = arith.extui %sign3A_371 : i1 to i32
        %sign3A_373 = arith.constant 0 : i32
        %sign3A_374 = arith.cmpi slt, %jit3A_361, %sign3A_373 : i32
        %sign3A_375 = arith.extui %sign3A_374 : i1 to i32
        %sign3A_376 = arith.subi %sign3A_372, %sign3A_375 : i32
        %ne3A_377 = arith.cmpi ne, %sign3A_369, %sign3A_376 : i32
        %rem3A_378 = arith.remsi %sub3A_360, %jit3A_361 : i32
        %ne3A_379 = arith.constant 0 : i32
        %ne3A_380 = arith.cmpi ne, %rem3A_378, %ne3A_379 : i32
        %and3A_381 = arith.andi %ne3A_377, %ne3A_380 : i1
        %sub3A_382 = arith.constant 1 : i32
        %sub3A_383 = arith.subi %div3A_362, %sub3A_382 : i32
        %select_n3A_384 = arith.select %and3A_381, %sub3A_383, %div3A_362 : i32
        %jit3A_385 = arith.constant 4 : i32
        %eq3A_386 = arith.constant 0 : i32
        %eq3A_387 = arith.cmpi eq, %jit3A_385, %eq3A_386 : i32
        %jit3A_388 = arith.constant 1 : i32
        %select_n3A_389 = arith.select %eq3A_387, %jit3A_388, %jit3A_385 : i32
        %rem3A_390 = arith.remsi %sub3A_360, %select_n3A_389 : i32
        %ne3A_391 = arith.constant 0 : i32
        %ne3A_392 = arith.cmpi ne, %rem3A_390, %ne3A_391 : i32
        %lt3A_393 = arith.constant 0 : i32
        %lt3A_394 = arith.cmpi slt, %rem3A_390, %lt3A_393 : i32
        %lt3A_395 = arith.constant 0 : i32
        %lt3A_396 = arith.cmpi slt, %select_n3A_389, %lt3A_395 : i32
        %ne3A_397 = arith.xori %lt3A_394, %lt3A_396 : i1
        %and3A_398 = arith.andi %ne3A_397, %ne3A_392 : i1
        %add3A_399 = arith.addi %rem3A_390, %select_n3A_389 : i32
        %select_n3A_400 = arith.select %and3A_398, %add3A_399, %rem3A_390 : i32
        %mul3A_401 = arith.constant 4096 : i32
        %mul3A_402 = arith.muli %select_n3A_400, %mul3A_401 : i32
        %jit3A_403 = arith.constant 128 : i32
        %div3A_404 = arith.divsi %mul3A_402, %jit3A_403 : i32
        %sign3A_405 = arith.constant 0 : i32
        %sign3A_406 = arith.cmpi sgt, %mul3A_402, %sign3A_405 : i32
        %sign3A_407 = arith.extui %sign3A_406 : i1 to i32
        %sign3A_408 = arith.constant 0 : i32
        %sign3A_409 = arith.cmpi slt, %mul3A_402, %sign3A_408 : i32
        %sign3A_410 = arith.extui %sign3A_409 : i1 to i32
        %sign3A_411 = arith.subi %sign3A_407, %sign3A_410 : i32
        %sign3A_412 = arith.constant 0 : i32
        %sign3A_413 = arith.cmpi sgt, %jit3A_403, %sign3A_412 : i32
        %sign3A_414 = arith.extui %sign3A_413 : i1 to i32
        %sign3A_415 = arith.constant 0 : i32
        %sign3A_416 = arith.cmpi slt, %jit3A_403, %sign3A_415 : i32
        %sign3A_417 = arith.extui %sign3A_416 : i1 to i32
        %sign3A_418 = arith.subi %sign3A_414, %sign3A_417 : i32
        %ne3A_419 = arith.cmpi ne, %sign3A_411, %sign3A_418 : i32
        %rem3A_420 = arith.remsi %mul3A_402, %jit3A_403 : i32
        %ne3A_421 = arith.constant 0 : i32
        %ne3A_422 = arith.cmpi ne, %rem3A_420, %ne3A_421 : i32
        %and3A_423 = arith.andi %ne3A_419, %ne3A_422 : i1
        %sub3A_424 = arith.constant 1 : i32
        %sub3A_425 = arith.subi %div3A_404, %sub3A_424 : i32
        %select_n3A_426 = arith.select %and3A_423, %sub3A_425, %div3A_404 : i32
        %dma_wait3A_427 = arith.constant 0 : i32
        %dma_wait3A_428 = arith.constant 0 : i32
        %dma_wait3A_429 = arith.constant 0 : i32
        %dma_wait3A_430 = tpu.memref_slice %arg8[%rem3A_241, %dma_wait3A_427, %dma_wait3A_428, %dma_wait3A_429] : memref<2x32x2x128xf32, #tpu.memory_space<vmem>> -> memref<1x32x2x128xf32, #tpu.memory_space<vmem>>
        %dma_wait3A_431 = tpu.memref_squeeze %dma_wait3A_430 : memref<1x32x2x128xf32, #tpu.memory_space<vmem>> -> memref<32x2x128xf32, #tpu.memory_space<vmem>>
        %dma_wait3A_432 = arith.constant 0 : i32
        %dma_wait3A_433 = arith.constant 0 : i32
        %dma_wait3A_434 = tpu.memref_slice %arg4[%select_n3A_384, %select_n3A_426, %dma_wait3A_432, %dma_wait3A_433] : memref<200x128x2x128xf32, #tpu.memory_space<hbm>> -> memref<1x32x2x128xf32, #tpu.memory_space<hbm>>
        %dma_wait3A_435 = tpu.memref_squeeze %dma_wait3A_434 : memref<1x32x2x128xf32, #tpu.memory_space<hbm>> -> memref<32x2x128xf32, #tpu.memory_space<hbm>>
        %dma_wait3A_436 = tpu.memref_slice %arg10[%rem3A_241] : memref<2x!tpu.dma_semaphore, #tpu.memory_space<semaphore_mem>> -> memref<1x!tpu.dma_semaphore, #tpu.memory_space<semaphore_mem>>
        %dma_wait3A_437 = tpu.memref_squeeze %dma_wait3A_436 : memref<1x!tpu.dma_semaphore, #tpu.memory_space<semaphore_mem>> -> memref<!tpu.dma_semaphore, #tpu.memory_space<semaphore_mem>>
        %dma_wait3A_438 = arith.constant 0 : i32
        %dma_wait3A_439 = arith.constant 0 : i32
        %dma_wait3A_440 = tpu.memref_slice %arg4[%select_n3A_384, %select_n3A_426, %dma_wait3A_438, %dma_wait3A_439] : memref<200x128x2x128xf32, #tpu.memory_space<hbm>> -> memref<1x32x2x128xf32, #tpu.memory_space<hbm>>
        %dma_wait3A_441 = tpu.memref_squeeze %dma_wait3A_440 : memref<1x32x2x128xf32, #tpu.memory_space<hbm>> -> memref<32x2x128xf32, #tpu.memory_space<hbm>>
        %dma_wait3A_442 = arith.constant 0 : i32
        %dma_wait3A_443 = arith.constant 0 : i32
        %dma_wait3A_444 = arith.constant 0 : i32
        %dma_wait3A_445 = tpu.memref_slice %arg8[%rem3A_241, %dma_wait3A_442, %dma_wait3A_443, %dma_wait3A_444] : memref<2x32x2x128xf32, #tpu.memory_space<vmem>> -> memref<1x32x2x128xf32, #tpu.memory_space<vmem>>
        %dma_wait3A_446 = tpu.memref_squeeze %dma_wait3A_445 : memref<1x32x2x128xf32, #tpu.memory_space<vmem>> -> memref<32x2x128xf32, #tpu.memory_space<vmem>>
        tpu.wait_dma2 semaphore(%dma_wait3A_437 : memref<!tpu.dma_semaphore, #tpu.memory_space<semaphore_mem>>) src(%dma_wait3A_446 : memref<32x2x128xf32, #tpu.memory_space<vmem>>) dst(%dma_wait3A_441 : memref<32x2x128xf32, #tpu.memory_space<hbm>>)
      } else {
      }
      %add3A_292 = arith.constant 1 : i32
      %add3A_293 = arith.addi %scan3A_238, %add3A_292 : i32
      %lt3A_294 = arith.constant 25 : i32
      %lt3A_295 = arith.cmpi slt, %add3A_293, %lt3A_294 : i32
      %convert_element_type3A_296 = arith.extui %lt3A_295 : i1 to i32
      %cond3A_297 = arith.constant 0 : i32
      %cond3A_298 = arith.cmpi ne, %convert_element_type3A_296, %cond3A_297 : i32
      scf.if %cond3A_298 {
        %add3A_359 = arith.constant 1 : i32
        %add3A_360 = arith.addi %add3A_239, %add3A_359 : i32
        %jit3A_361 = arith.constant 4 : i32
        %div3A_362 = arith.divsi %add3A_360, %jit3A_361 : i32
        %sign3A_363 = arith.constant 0 : i32
        %sign3A_364 = arith.cmpi sgt, %add3A_360, %sign3A_363 : i32
        %sign3A_365 = arith.extui %sign3A_364 : i1 to i32
        %sign3A_366 = arith.constant 0 : i32
        %sign3A_367 = arith.cmpi slt, %add3A_360, %sign3A_366 : i32
        %sign3A_368 = arith.extui %sign3A_367 : i1 to i32
        %sign3A_369 = arith.subi %sign3A_365, %sign3A_368 : i32
        %sign3A_370 = arith.constant 0 : i32
        %sign3A_371 = arith.cmpi sgt, %jit3A_361, %sign3A_370 : i32
        %sign3A_372 = arith.extui %sign3A_371 : i1 to i32
        %sign3A_373 = arith.constant 0 : i32
        %sign3A_374 = arith.cmpi slt, %jit3A_361, %sign3A_373 : i32
        %sign3A_375 = arith.extui %sign3A_374 : i1 to i32
        %sign3A_376 = arith.subi %sign3A_372, %sign3A_375 : i32
        %ne3A_377 = arith.cmpi ne, %sign3A_369, %sign3A_376 : i32
        %rem3A_378 = arith.remsi %add3A_360, %jit3A_361 : i32
        %ne3A_379 = arith.constant 0 : i32
        %ne3A_380 = arith.cmpi ne, %rem3A_378, %ne3A_379 : i32
        %and3A_381 = arith.andi %ne3A_377, %ne3A_380 : i1
        %sub3A_382 = arith.constant 1 : i32
        %sub3A_383 = arith.subi %div3A_362, %sub3A_382 : i32
        %select_n3A_384 = arith.select %and3A_381, %sub3A_383, %div3A_362 : i32
        %jit3A_385 = arith.constant 4 : i32
        %eq3A_386 = arith.constant 0 : i32
        %eq3A_387 = arith.cmpi eq, %jit3A_385, %eq3A_386 : i32
        %jit3A_388 = arith.constant 1 : i32
        %select_n3A_389 = arith.select %eq3A_387, %jit3A_388, %jit3A_385 : i32
        %rem3A_390 = arith.remsi %add3A_360, %select_n3A_389 : i32
        %ne3A_391 = arith.constant 0 : i32
        %ne3A_392 = arith.cmpi ne, %rem3A_390, %ne3A_391 : i32
        %lt3A_393 = arith.constant 0 : i32
        %lt3A_394 = arith.cmpi slt, %rem3A_390, %lt3A_393 : i32
        %lt3A_395 = arith.constant 0 : i32
        %lt3A_396 = arith.cmpi slt, %select_n3A_389, %lt3A_395 : i32
        %ne3A_397 = arith.xori %lt3A_394, %lt3A_396 : i1
        %and3A_398 = arith.andi %ne3A_397, %ne3A_392 : i1
        %add3A_399 = arith.addi %rem3A_390, %select_n3A_389 : i32
        %select_n3A_400 = arith.select %and3A_398, %add3A_399, %rem3A_390 : i32
        %mul3A_401 = arith.constant 4096 : i32
        %mul3A_402 = arith.muli %select_n3A_400, %mul3A_401 : i32
        "tpu.region"() ({
          %run_scoped3A_413 = tpu.sem_alloc : memref<!tpu.dma_semaphore, #tpu.memory_space<semaphore_mem>>
          %dma_start3A_414 = arith.constant 0 : i32
          %dma_start3A_415 = tpu.memref_slice %arg6[%rem3A_245, %dma_start3A_414] : memref<2x4096xi32, #tpu.memory_space<vmem>> -> memref<1x4096xi32, #tpu.memory_space<vmem>>
          %dma_start3A_416 = tpu.memref_squeeze %dma_start3A_415 : memref<1x4096xi32, #tpu.memory_space<vmem>> -> memref<4096xi32, #tpu.memory_space<vmem>>
          %dma_start3A_417 = tpu.memref_slice %arg3[%select_n3A_384, %mul3A_402] : memref<200x16384xi32, #tpu.memory_space<hbm>> -> memref<1x4096xi32, #tpu.memory_space<hbm>>
          %dma_start3A_418 = tpu.memref_squeeze %dma_start3A_417 : memref<1x4096xi32, #tpu.memory_space<hbm>> -> memref<4096xi32, #tpu.memory_space<hbm>>
          %dma_start3A_419 = arith.constant 0 : i32
          %dma_start3A_420 = tpu.memref_slice %arg6[%rem3A_245, %dma_start3A_419] : memref<2x4096xi32, #tpu.memory_space<vmem>> -> memref<1x4096xi32, #tpu.memory_space<vmem>>
          %dma_start3A_421 = tpu.memref_squeeze %dma_start3A_420 : memref<1x4096xi32, #tpu.memory_space<vmem>> -> memref<4096xi32, #tpu.memory_space<vmem>>
          %dma_start3A_422 = tpu.memref_slice %arg3[%select_n3A_384, %mul3A_402] : memref<200x16384xi32, #tpu.memory_space<hbm>> -> memref<1x4096xi32, #tpu.memory_space<hbm>>
          %dma_start3A_423 = tpu.memref_squeeze %dma_start3A_422 : memref<1x4096xi32, #tpu.memory_space<hbm>> -> memref<4096xi32, #tpu.memory_space<hbm>>
          tpu.enqueue_dma source(%dma_start3A_423 : memref<4096xi32, #tpu.memory_space<hbm>>) target(%dma_start3A_421 : memref<4096xi32, #tpu.memory_space<vmem>>) target_semaphore(%run_scoped3A_413 : memref<!tpu.dma_semaphore, #tpu.memory_space<semaphore_mem>>)
          %dma_wait3A_424 = arith.constant 0 : i32
          %dma_wait3A_425 = tpu.memref_slice %arg6[%rem3A_245, %dma_wait3A_424] : memref<2x4096xi32, #tpu.memory_space<vmem>> -> memref<1x4096xi32, #tpu.memory_space<vmem>>
          %dma_wait3A_426 = tpu.memref_squeeze %dma_wait3A_425 : memref<1x4096xi32, #tpu.memory_space<vmem>> -> memref<4096xi32, #tpu.memory_space<vmem>>
          %dma_wait3A_427 = tpu.memref_slice %arg3[%select_n3A_384, %mul3A_402] : memref<200x16384xi32, #tpu.memory_space<hbm>> -> memref<1x4096xi32, #tpu.memory_space<hbm>>
          %dma_wait3A_428 = tpu.memref_squeeze %dma_wait3A_427 : memref<1x4096xi32, #tpu.memory_space<hbm>> -> memref<4096xi32, #tpu.memory_space<hbm>>
          %dma_wait3A_429 = arith.constant 0 : i32
          %dma_wait3A_430 = tpu.memref_slice %arg6[%rem3A_245, %dma_wait3A_429] : memref<2x4096xi32, #tpu.memory_space<vmem>> -> memref<1x4096xi32, #tpu.memory_space<vmem>>
          %dma_wait3A_431 = tpu.memref_squeeze %dma_wait3A_430 : memref<1x4096xi32, #tpu.memory_space<vmem>> -> memref<4096xi32, #tpu.memory_space<vmem>>
          %dma_wait3A_432 = tpu.memref_slice %arg3[%select_n3A_384, %mul3A_402] : memref<200x16384xi32, #tpu.memory_space<hbm>> -> memref<1x4096xi32, #tpu.memory_space<hbm>>
          %dma_wait3A_433 = tpu.memref_squeeze %dma_wait3A_432 : memref<1x4096xi32, #tpu.memory_space<hbm>> -> memref<4096xi32, #tpu.memory_space<hbm>>
          tpu.wait_dma2 semaphore(%run_scoped3A_413 : memref<!tpu.dma_semaphore, #tpu.memory_space<semaphore_mem>>) src(%dma_wait3A_433 : memref<4096xi32, #tpu.memory_space<hbm>>) dst(%dma_wait3A_431 : memref<4096xi32, #tpu.memory_space<vmem>>)
          tpu.yield
        }) : () -> ()
        %dma_start3A_403 = arith.constant 0 : i32
        %dma_start3A_404 = tpu.memref_slice %arg7[%rem3A_245, %dma_start3A_403] : memref<2x4096xi32, #tpu.memory_space<vmem>> -> memref<1x4096xi32, #tpu.memory_space<vmem>>
        %dma_start3A_405 = tpu.memref_squeeze %dma_start3A_404 : memref<1x4096xi32, #tpu.memory_space<vmem>> -> memref<4096xi32, #tpu.memory_space<vmem>>
        %dma_start3A_406 = arith.constant 0 : i32
        %dma_start3A_407 = tpu.memref_slice %arg6[%rem3A_245, %dma_start3A_406] : memref<2x4096xi32, #tpu.memory_space<vmem>> -> memref<1x4096xi32, #tpu.memory_space<vmem>>
        %dma_start3A_408 = tpu.memref_squeeze %dma_start3A_407 : memref<1x4096xi32, #tpu.memory_space<vmem>> -> memref<4096xi32, #tpu.memory_space<vmem>>
        %dma_start3A_409 = arith.constant 0 : i32
        %dma_start3A_410 = tpu.memref_slice %arg5[%dma_start3A_409] : memref<1032192xi32, #tpu.memory_space<vmem_shared>> -> memref<1032192xi32, #tpu.memory_space<vmem_shared>>
        %dma_start3A_411 = tpu.memref_slice %arg9[%rem3A_245] : memref<2x!tpu.dma_semaphore, #tpu.memory_space<semaphore_mem>> -> memref<1x!tpu.dma_semaphore, #tpu.memory_space<semaphore_mem>>
        %dma_start3A_412 = tpu.memref_squeeze %dma_start3A_411 : memref<1x!tpu.dma_semaphore, #tpu.memory_space<semaphore_mem>> -> memref<!tpu.dma_semaphore, #tpu.memory_space<semaphore_mem>>
        tpu.enqueue_indirect_dma source(%dma_start3A_410 : memref<1032192xi32, #tpu.memory_space<vmem_shared>>) target(%dma_start3A_405 : memref<4096xi32, #tpu.memory_space<vmem>>) offsets(%dma_start3A_408 : memref<4096xi32, #tpu.memory_space<vmem>>) semaphore(%dma_start3A_412 : memref<!tpu.dma_semaphore, #tpu.memory_space<semaphore_mem>>)
      } else {
      }
      %dma_wait3A_299 = arith.constant 0 : i32
      %dma_wait3A_300 = tpu.memref_slice %arg7[%rem3A_241, %dma_wait3A_299] : memref<2x4096xi32, #tpu.memory_space<vmem>> -> memref<1x4096xi32, #tpu.memory_space<vmem>>
      %dma_wait3A_301 = tpu.memref_squeeze %dma_wait3A_300 : memref<1x4096xi32, #tpu.memory_space<vmem>> -> memref<4096xi32, #tpu.memory_space<vmem>>
      %dma_wait3A_302 = arith.constant 0 : i32
      %dma_wait3A_303 = tpu.memref_slice %arg6[%rem3A_241, %dma_wait3A_302] : memref<2x4096xi32, #tpu.memory_space<vmem>> -> memref<1x4096xi32, #tpu.memory_space<vmem>>
      %dma_wait3A_304 = tpu.memref_squeeze %dma_wait3A_303 : memref<1x4096xi32, #tpu.memory_space<vmem>> -> memref<4096xi32, #tpu.memory_space<vmem>>
      %dma_wait3A_305 = arith.constant 0 : i32
      %dma_wait3A_306 = tpu.memref_slice %arg5[%dma_wait3A_305] : memref<1032192xi32, #tpu.memory_space<vmem_shared>> -> memref<1032192xi32, #tpu.memory_space<vmem_shared>>
      %dma_wait3A_307 = tpu.memref_slice %arg9[%rem3A_241] : memref<2x!tpu.dma_semaphore, #tpu.memory_space<semaphore_mem>> -> memref<1x!tpu.dma_semaphore, #tpu.memory_space<semaphore_mem>>
      %dma_wait3A_308 = tpu.memref_squeeze %dma_wait3A_307 : memref<1x!tpu.dma_semaphore, #tpu.memory_space<semaphore_mem>> -> memref<!tpu.dma_semaphore, #tpu.memory_space<semaphore_mem>>
      tpu.wait_indirect_dma semaphore(%dma_wait3A_308 : memref<!tpu.dma_semaphore, #tpu.memory_space<semaphore_mem>>) src(%dma_wait3A_306 : memref<1032192xi32, #tpu.memory_space<vmem_shared>>) dst(%dma_wait3A_301 : memref<4096xi32, #tpu.memory_space<vmem>>)
      %scan3A_309 = arith.constant 0 : i32
      %scan3A_310 = arith.constant 0 : i32
      %scan3A_311 = arith.constant 32 : i32
      %scan3A_312 = arith.addi %scan3A_310, %scan3A_311 : i32
      %scan3A_313 = arith.constant 1 : i32
      scf.for %scan3A_359 = %scan3A_310 to %scan3A_312 step %scan3A_313  : i32 {
        %mul3A_360 = arith.constant 128 : i32
        %mul3A_361 = arith.muli %scan3A_359, %mul3A_360 : i32
        %add3A_362 = arith.constant 0 : i32
        %add3A_363 = arith.addi %mul3A_361, %add3A_362 : i32
        %get3A = arith.index_cast %rem3A_241 : i32 to index
        %get3A_364 = arith.index_cast %add3A_363 : i32 to index
        %get3A_365 = tpu.vector_load %arg7[%get3A, %get3A_364] {strides = array<i32>} : memref<2x4096xi32, #tpu.memory_space<vmem>>, vector<1x16xi32>,
        %get3A_366 = vector.shape_cast %get3A_365 : vector<1x16xi32> to vector<16xi32>
        %broadcast_in_dim3A = arith.constant 16 : i32
        %broadcast_in_dim3A_367 = vector.broadcast %broadcast_in_dim3A : i32 to vector<16xi32>
        %shift_left3A = arith.shli %get3A_366, %broadcast_in_dim3A_367 : vector<16xi32>
        %bitcast_convert_type3A = tpu.bitcast %shift_left3A : vector<16xi32> -> vector<16xf32>
        %swap3A = arith.constant 0 : i32
        %swap3A_368 = arith.index_cast %rem3A_241 : i32 to index
        %swap3A_369 = arith.index_cast %scan3A_359 : i32 to index
        %swap3A_370 = arith.index_cast %swap3A : i32 to index
        %swap3A_371 = arith.constant 0 : index
        %swap3A_372 = tpu.vector_load %arg8[%swap3A_368, %swap3A_369, %swap3A_370, %swap3A_371] {strides = array<i32>} : memref<2x32x2x128xf32, #tpu.memory_space<vmem>>, vector<1x1x1x16xf32>,
        %swap3A_373 = vector.shape_cast %swap3A_372 : vector<1x1x1x16xf32> to vector<16xf32>
        %swap3A_374 = vector.shape_cast %bitcast_convert_type3A : vector<16xf32> to vector<1x1x1x16xf32>
        tpu.vector_store %arg8[%swap3A_368, %swap3A_369, %swap3A_370, %swap3A_371], %swap3A_374 {strides = array<i32>} : memref<2x32x2x128xf32, #tpu.memory_space<vmem>>, vector<1x1x1x16xf32>,
        %get3A_375 = arith.index_cast %rem3A_241 : i32 to index
        %get3A_376 = arith.index_cast %add3A_363 : i32 to index
        %get3A_377 = tpu.vector_load %arg7[%get3A_375, %get3A_376] {strides = array<i32>} : memref<2x4096xi32, #tpu.memory_space<vmem>>, vector<1x16xi32>,
        %get3A_378 = vector.shape_cast %get3A_377 : vector<1x16xi32> to vector<16xi32>
        %broadcast_in_dim3A_379 = arith.constant -65536 : i32
        %broadcast_in_dim3A_380 = vector.broadcast %broadcast_in_dim3A_379 : i32 to vector<16xi32>
        %and3A_381 = arith.andi %get3A_378, %broadcast_in_dim3A_380 : vector<16xi32>
        %bitcast_convert_type3A_382 = tpu.bitcast %and3A_381 : vector<16xi32> -> vector<16xf32>
        %swap3A_383 = arith.constant 1 : i32
        %swap3A_384 = arith.index_cast %rem3A_241 : i32 to index
        %swap3A_385 = arith.index_cast %scan3A_359 : i32 to index
        %swap3A_386 = arith.index_cast %swap3A_383 : i32 to index
        %swap3A_387 = arith.constant 0 : index
        %swap3A_388 = tpu.vector_load %arg8[%swap3A_384, %swap3A_385, %swap3A_386, %swap3A_387] {strides = array<i32>} : memref<2x32x2x128xf32, #tpu.memory_space<vmem>>, vector<1x1x1x16xf32>,
        %swap3A_389 = vector.shape_cast %swap3A_388 : vector<1x1x1x16xf32> to vector<16xf32>
        %swap3A_390 = vector.shape_cast %bitcast_convert_type3A_382 : vector<16xf32> to vector<1x1x1x16xf32>
        tpu.vector_store %arg8[%swap3A_384, %swap3A_385, %swap3A_386, %swap3A_387], %swap3A_390 {strides = array<i32>} : memref<2x32x2x128xf32, #tpu.memory_space<vmem>>, vector<1x1x1x16xf32>,
        %mul3A_391 = arith.constant 128 : i32
        %mul3A_392 = arith.muli %scan3A_359, %mul3A_391 : i32
        %add3A_393 = arith.constant 16 : i32
        %add3A_394 = arith.addi %mul3A_392, %add3A_393 : i32
        %get3A_395 = arith.index_cast %rem3A_241 : i32 to index
        %get3A_396 = arith.index_cast %add3A_394 : i32 to index
        %get3A_397 = tpu.vector_load %arg7[%get3A_395, %get3A_396] {strides = array<i32>} : memref<2x4096xi32, #tpu.memory_space<vmem>>, vector<1x16xi32>,
        %get3A_398 = vector.shape_cast %get3A_397 : vector<1x16xi32> to vector<16xi32>
        %broadcast_in_dim3A_399 = arith.constant 16 : i32
        %broadcast_in_dim3A_400 = vector.broadcast %broadcast_in_dim3A_399 : i32 to vector<16xi32>
        %shift_left3A_401 = arith.shli %get3A_398, %broadcast_in_dim3A_400 : vector<16xi32>
        %bitcast_convert_type3A_402 = tpu.bitcast %shift_left3A_401 : vector<16xi32> -> vector<16xf32>
        %swap3A_403 = arith.constant 0 : i32
        %swap3A_404 = arith.index_cast %rem3A_241 : i32 to index
        %swap3A_405 = arith.index_cast %scan3A_359 : i32 to index
        %swap3A_406 = arith.index_cast %swap3A_403 : i32 to index
        %swap3A_407 = arith.constant 16 : index
        %swap3A_408 = tpu.vector_load %arg8[%swap3A_404, %swap3A_405, %swap3A_406, %swap3A_407] {strides = array<i32>} : memref<2x32x2x128xf32, #tpu.memory_space<vmem>>, vector<1x1x1x16xf32>,
        %swap3A_409 = vector.shape_cast %swap3A_408 : vector<1x1x1x16xf32> to vector<16xf32>
        %swap3A_410 = vector.shape_cast %bitcast_convert_type3A_402 : vector<16xf32> to vector<1x1x1x16xf32>
        tpu.vector_store %arg8[%swap3A_404, %swap3A_405, %swap3A_406, %swap3A_407], %swap3A_410 {strides = array<i32>} : memref<2x32x2x128xf32, #tpu.memory_space<vmem>>, vector<1x1x1x16xf32>,
        %get3A_411 = arith.index_cast %rem3A_241 : i32 to index
        %get3A_412 = arith.index_cast %add3A_394 : i32 to index
        %get3A_413 = tpu.vector_load %arg7[%get3A_411, %get3A_412] {strides = array<i32>} : memref<2x4096xi32, #tpu.memory_space<vmem>>, vector<1x16xi32>,
        %get3A_414 = vector.shape_cast %get3A_413 : vector<1x16xi32> to vector<16xi32>
        %broadcast_in_dim3A_415 = arith.constant -65536 : i32
        %broadcast_in_dim3A_416 = vector.broadcast %broadcast_in_dim3A_415 : i32 to vector<16xi32>
        %and3A_417 = arith.andi %get3A_414, %broadcast_in_dim3A_416 : vector<16xi32>
        %bitcast_convert_type3A_418 = tpu.bitcast %and3A_417 : vector<16xi32> -> vector<16xf32>
        %swap3A_419 = arith.constant 1 : i32
        %swap3A_420 = arith.index_cast %rem3A_241 : i32 to index
        %swap3A_421 = arith.index_cast %scan3A_359 : i32 to index
        %swap3A_422 = arith.index_cast %swap3A_419 : i32 to index
        %swap3A_423 = arith.constant 16 : index
        %swap3A_424 = tpu.vector_load %arg8[%swap3A_420, %swap3A_421, %swap3A_422, %swap3A_423] {strides = array<i32>} : memref<2x32x2x128xf32, #tpu.memory_space<vmem>>, vector<1x1x1x16xf32>,
        %swap3A_425 = vector.shape_cast %swap3A_424 : vector<1x1x1x16xf32> to vector<16xf32>
        %swap3A_426 = vector.shape_cast %bitcast_convert_type3A_418 : vector<16xf32> to vector<1x1x1x16xf32>
        tpu.vector_store %arg8[%swap3A_420, %swap3A_421, %swap3A_422, %swap3A_423], %swap3A_426 {strides = array<i32>} : memref<2x32x2x128xf32, #tpu.memory_space<vmem>>, vector<1x1x1x16xf32>,
        %mul3A_427 = arith.constant 128 : i32
        %mul3A_428 = arith.muli %scan3A_359, %mul3A_427 : i32
        %add3A_429 = arith.constant 32 : i32
        %add3A_430 = arith.addi %mul3A_428, %add3A_429 : i32
        %get3A_431 = arith.index_cast %rem3A_241 : i32 to index
        %get3A_432 = arith.index_cast %add3A_430 : i32 to index
        %get3A_433 = tpu.vector_load %arg7[%get3A_431, %get3A_432] {strides = array<i32>} : memref<2x4096xi32, #tpu.memory_space<vmem>>, vector<1x16xi32>,
        %get3A_434 = vector.shape_cast %get3A_433 : vector<1x16xi32> to vector<16xi32>
        %broadcast_in_dim3A_435 = arith.constant 16 : i32
        %broadcast_in_dim3A_436 = vector.broadcast %broadcast_in_dim3A_435 : i32 to vector<16xi32>
        %shift_left3A_437 = arith.shli %get3A_434, %broadcast_in_dim3A_436 : vector<16xi32>
        %bitcast_convert_type3A_438 = tpu.bitcast %shift_left3A_437 : vector<16xi32> -> vector<16xf32>
        %swap3A_439 = arith.constant 0 : i32
        %swap3A_440 = arith.index_cast %rem3A_241 : i32 to index
        %swap3A_441 = arith.index_cast %scan3A_359 : i32 to index
        %swap3A_442 = arith.index_cast %swap3A_439 : i32 to index
        %swap3A_443 = arith.constant 32 : index
        %swap3A_444 = tpu.vector_load %arg8[%swap3A_440, %swap3A_441, %swap3A_442, %swap3A_443] {strides = array<i32>} : memref<2x32x2x128xf32, #tpu.memory_space<vmem>>, vector<1x1x1x16xf32>,
        %swap3A_445 = vector.shape_cast %swap3A_444 : vector<1x1x1x16xf32> to vector<16xf32>
        %swap3A_446 = vector.shape_cast %bitcast_convert_type3A_438 : vector<16xf32> to vector<1x1x1x16xf32>
        tpu.vector_store %arg8[%swap3A_440, %swap3A_441, %swap3A_442, %swap3A_443], %swap3A_446 {strides = array<i32>} : memref<2x32x2x128xf32, #tpu.memory_space<vmem>>, vector<1x1x1x16xf32>,
        %get3A_447 = arith.index_cast %rem3A_241 : i32 to index
        %get3A_448 = arith.index_cast %add3A_430 : i32 to index
        %get3A_449 = tpu.vector_load %arg7[%get3A_447, %get3A_448] {strides = array<i32>} : memref<2x4096xi32, #tpu.memory_space<vmem>>, vector<1x16xi32>,
        %get3A_450 = vector.shape_cast %get3A_449 : vector<1x16xi32> to vector<16xi32>
        %broadcast_in_dim3A_451 = arith.constant -65536 : i32
        %broadcast_in_dim3A_452 = vector.broadcast %broadcast_in_dim3A_451 : i32 to vector<16xi32>
        %and3A_453 = arith.andi %get3A_450, %broadcast_in_dim3A_452 : vector<16xi32>
        %bitcast_convert_type3A_454 = tpu.bitcast %and3A_453 : vector<16xi32> -> vector<16xf32>
        %swap3A_455 = arith.constant 1 : i32
        %swap3A_456 = arith.index_cast %rem3A_241 : i32 to index
        %swap3A_457 = arith.index_cast %scan3A_359 : i32 to index
        %swap3A_458 = arith.index_cast %swap3A_455 : i32 to index
        %swap3A_459 = arith.constant 32 : index
        %swap3A_460 = tpu.vector_load %arg8[%swap3A_456, %swap3A_457, %swap3A_458, %swap3A_459] {strides = array<i32>} : memref<2x32x2x128xf32, #tpu.memory_space<vmem>>, vector<1x1x1x16xf32>,
        %swap3A_461 = vector.shape_cast %swap3A_460 : vector<1x1x1x16xf32> to vector<16xf32>
        %swap3A_462 = vector.shape_cast %bitcast_convert_type3A_454 : vector<16xf32> to vector<1x1x1x16xf32>
        tpu.vector_store %arg8[%swap3A_456, %swap3A_457, %swap3A_458, %swap3A_459], %swap3A_462 {strides = array<i32>} : memref<2x32x2x128xf32, #tpu.memory_space<vmem>>, vector<1x1x1x16xf32>,
        %mul3A_463 = arith.constant 128 : i32
        %mul3A_464 = arith.muli %scan3A_359, %mul3A_463 : i32
        %add3A_465 = arith.constant 48 : i32
        %add3A_466 = arith.addi %mul3A_464, %add3A_465 : i32
        %get3A_467 = arith.index_cast %rem3A_241 : i32 to index
        %get3A_468 = arith.index_cast %add3A_466 : i32 to index
        %get3A_469 = tpu.vector_load %arg7[%get3A_467, %get3A_468] {strides = array<i32>} : memref<2x4096xi32, #tpu.memory_space<vmem>>, vector<1x16xi32>,
        %get3A_470 = vector.shape_cast %get3A_469 : vector<1x16xi32> to vector<16xi32>
        %broadcast_in_dim3A_471 = arith.constant 16 : i32
        %broadcast_in_dim3A_472 = vector.broadcast %broadcast_in_dim3A_471 : i32 to vector<16xi32>
        %shift_left3A_473 = arith.shli %get3A_470, %broadcast_in_dim3A_472 : vector<16xi32>
        %bitcast_convert_type3A_474 = tpu.bitcast %shift_left3A_473 : vector<16xi32> -> vector<16xf32>
        %swap3A_475 = arith.constant 0 : i32
        %swap3A_476 = arith.index_cast %rem3A_241 : i32 to index
        %swap3A_477 = arith.index_cast %scan3A_359 : i32 to index
        %swap3A_478 = arith.index_cast %swap3A_475 : i32 to index
        %swap3A_479 = arith.constant 48 : index
        %swap3A_480 = tpu.vector_load %arg8[%swap3A_476, %swap3A_477, %swap3A_478, %swap3A_479] {strides = array<i32>} : memref<2x32x2x128xf32, #tpu.memory_space<vmem>>, vector<1x1x1x16xf32>,
        %swap3A_481 = vector.shape_cast %swap3A_480 : vector<1x1x1x16xf32> to vector<16xf32>
        %swap3A_482 = vector.shape_cast %bitcast_convert_type3A_474 : vector<16xf32> to vector<1x1x1x16xf32>
        tpu.vector_store %arg8[%swap3A_476, %swap3A_477, %swap3A_478, %swap3A_479], %swap3A_482 {strides = array<i32>} : memref<2x32x2x128xf32, #tpu.memory_space<vmem>>, vector<1x1x1x16xf32>,
        %get3A_483 = arith.index_cast %rem3A_241 : i32 to index
        %get3A_484 = arith.index_cast %add3A_466 : i32 to index
        %get3A_485 = tpu.vector_load %arg7[%get3A_483, %get3A_484] {strides = array<i32>} : memref<2x4096xi32, #tpu.memory_space<vmem>>, vector<1x16xi32>,
        %get3A_486 = vector.shape_cast %get3A_485 : vector<1x16xi32> to vector<16xi32>
        %broadcast_in_dim3A_487 = arith.constant -65536 : i32
        %broadcast_in_dim3A_488 = vector.broadcast %broadcast_in_dim3A_487 : i32 to vector<16xi32>
        %and3A_489 = arith.andi %get3A_486, %broadcast_in_dim3A_488 : vector<16xi32>
        %bitcast_convert_type3A_490 = tpu.bitcast %and3A_489 : vector<16xi32> -> vector<16xf32>
        %swap3A_491 = arith.constant 1 : i32
        %swap3A_492 = arith.index_cast %rem3A_241 : i32 to index
        %swap3A_493 = arith.index_cast %scan3A_359 : i32 to index
        %swap3A_494 = arith.index_cast %swap3A_491 : i32 to index
        %swap3A_495 = arith.constant 48 : index
        %swap3A_496 = tpu.vector_load %arg8[%swap3A_492, %swap3A_493, %swap3A_494, %swap3A_495] {strides = array<i32>} : memref<2x32x2x128xf32, #tpu.memory_space<vmem>>, vector<1x1x1x16xf32>,
        %swap3A_497 = vector.shape_cast %swap3A_496 : vector<1x1x1x16xf32> to vector<16xf32>
        %swap3A_498 = vector.shape_cast %bitcast_convert_type3A_490 : vector<16xf32> to vector<1x1x1x16xf32>
        tpu.vector_store %arg8[%swap3A_492, %swap3A_493, %swap3A_494, %swap3A_495], %swap3A_498 {strides = array<i32>} : memref<2x32x2x128xf32, #tpu.memory_space<vmem>>, vector<1x1x1x16xf32>,
        %mul3A_499 = arith.constant 128 : i32
        %mul3A_500 = arith.muli %scan3A_359, %mul3A_499 : i32
        %add3A_501 = arith.constant 64 : i32
        %add3A_502 = arith.addi %mul3A_500, %add3A_501 : i32
        %get3A_503 = arith.index_cast %rem3A_241 : i32 to index
        %get3A_504 = arith.index_cast %add3A_502 : i32 to index
        %get3A_505 = tpu.vector_load %arg7[%get3A_503, %get3A_504] {strides = array<i32>} : memref<2x4096xi32, #tpu.memory_space<vmem>>, vector<1x16xi32>,
        %get3A_506 = vector.shape_cast %get3A_505 : vector<1x16xi32> to vector<16xi32>
        %broadcast_in_dim3A_507 = arith.constant 16 : i32
        %broadcast_in_dim3A_508 = vector.broadcast %broadcast_in_dim3A_507 : i32 to vector<16xi32>
        %shift_left3A_509 = arith.shli %get3A_506, %broadcast_in_dim3A_508 : vector<16xi32>
        %bitcast_convert_type3A_510 = tpu.bitcast %shift_left3A_509 : vector<16xi32> -> vector<16xf32>
        %swap3A_511 = arith.constant 0 : i32
        %swap3A_512 = arith.index_cast %rem3A_241 : i32 to index
        %swap3A_513 = arith.index_cast %scan3A_359 : i32 to index
        %swap3A_514 = arith.index_cast %swap3A_511 : i32 to index
        %swap3A_515 = arith.constant 64 : index
        %swap3A_516 = tpu.vector_load %arg8[%swap3A_512, %swap3A_513, %swap3A_514, %swap3A_515] {strides = array<i32>} : memref<2x32x2x128xf32, #tpu.memory_space<vmem>>, vector<1x1x1x16xf32>,
        %swap3A_517 = vector.shape_cast %swap3A_516 : vector<1x1x1x16xf32> to vector<16xf32>
        %swap3A_518 = vector.shape_cast %bitcast_convert_type3A_510 : vector<16xf32> to vector<1x1x1x16xf32>
        tpu.vector_store %arg8[%swap3A_512, %swap3A_513, %swap3A_514, %swap3A_515], %swap3A_518 {strides = array<i32>} : memref<2x32x2x128xf32, #tpu.memory_space<vmem>>, vector<1x1x1x16xf32>,
        %get3A_519 = arith.index_cast %rem3A_241 : i32 to index
        %get3A_520 = arith.index_cast %add3A_502 : i32 to index
        %get3A_521 = tpu.vector_load %arg7[%get3A_519, %get3A_520] {strides = array<i32>} : memref<2x4096xi32, #tpu.memory_space<vmem>>, vector<1x16xi32>,
        %get3A_522 = vector.shape_cast %get3A_521 : vector<1x16xi32> to vector<16xi32>
        %broadcast_in_dim3A_523 = arith.constant -65536 : i32
        %broadcast_in_dim3A_524 = vector.broadcast %broadcast_in_dim3A_523 : i32 to vector<16xi32>
        %and3A_525 = arith.andi %get3A_522, %broadcast_in_dim3A_524 : vector<16xi32>
        %bitcast_convert_type3A_526 = tpu.bitcast %and3A_525 : vector<16xi32> -> vector<16xf32>
        %swap3A_527 = arith.constant 1 : i32
        %swap3A_528 = arith.index_cast %rem3A_241 : i32 to index
        %swap3A_529 = arith.index_cast %scan3A_359 : i32 to index
        %swap3A_530 = arith.index_cast %swap3A_527 : i32 to index
        %swap3A_531 = arith.constant 64 : index
        %swap3A_532 = tpu.vector_load %arg8[%swap3A_528, %swap3A_529, %swap3A_530, %swap3A_531] {strides = array<i32>} : memref<2x32x2x128xf32, #tpu.memory_space<vmem>>, vector<1x1x1x16xf32>,
        %swap3A_533 = vector.shape_cast %swap3A_532 : vector<1x1x1x16xf32> to vector<16xf32>
        %swap3A_534 = vector.shape_cast %bitcast_convert_type3A_526 : vector<16xf32> to vector<1x1x1x16xf32>
        tpu.vector_store %arg8[%swap3A_528, %swap3A_529, %swap3A_530, %swap3A_531], %swap3A_534 {strides = array<i32>} : memref<2x32x2x128xf32, #tpu.memory_space<vmem>>, vector<1x1x1x16xf32>,
        %mul3A_535 = arith.constant 128 : i32
        %mul3A_536 = arith.muli %scan3A_359, %mul3A_535 : i32
        %add3A_537 = arith.constant 80 : i32
        %add3A_538 = arith.addi %mul3A_536, %add3A_537 : i32
        %get3A_539 = arith.index_cast %rem3A_241 : i32 to index
        %get3A_540 = arith.index_cast %add3A_538 : i32 to index
        %get3A_541 = tpu.vector_load %arg7[%get3A_539, %get3A_540] {strides = array<i32>} : memref<2x4096xi32, #tpu.memory_space<vmem>>, vector<1x16xi32>,
        %get3A_542 = vector.shape_cast %get3A_541 : vector<1x16xi32> to vector<16xi32>
        %broadcast_in_dim3A_543 = arith.constant 16 : i32
        %broadcast_in_dim3A_544 = vector.broadcast %broadcast_in_dim3A_543 : i32 to vector<16xi32>
        %shift_left3A_545 = arith.shli %get3A_542, %broadcast_in_dim3A_544 : vector<16xi32>
        %bitcast_convert_type3A_546 = tpu.bitcast %shift_left3A_545 : vector<16xi32> -> vector<16xf32>
        %swap3A_547 = arith.constant 0 : i32
        %swap3A_548 = arith.index_cast %rem3A_241 : i32 to index
        %swap3A_549 = arith.index_cast %scan3A_359 : i32 to index
        %swap3A_550 = arith.index_cast %swap3A_547 : i32 to index
        %swap3A_551 = arith.constant 80 : index
        %swap3A_552 = tpu.vector_load %arg8[%swap3A_548, %swap3A_549, %swap3A_550, %swap3A_551] {strides = array<i32>} : memref<2x32x2x128xf32, #tpu.memory_space<vmem>>, vector<1x1x1x16xf32>,
        %swap3A_553 = vector.shape_cast %swap3A_552 : vector<1x1x1x16xf32> to vector<16xf32>
        %swap3A_554 = vector.shape_cast %bitcast_convert_type3A_546 : vector<16xf32> to vector<1x1x1x16xf32>
        tpu.vector_store %arg8[%swap3A_548, %swap3A_549, %swap3A_550, %swap3A_551], %swap3A_554 {strides = array<i32>} : memref<2x32x2x128xf32, #tpu.memory_space<vmem>>, vector<1x1x1x16xf32>,
        %get3A_555 = arith.index_cast %rem3A_241 : i32 to index
        %get3A_556 = arith.index_cast %add3A_538 : i32 to index
        %get3A_557 = tpu.vector_load %arg7[%get3A_555, %get3A_556] {strides = array<i32>} : memref<2x4096xi32, #tpu.memory_space<vmem>>, vector<1x16xi32>,
        %get3A_558 = vector.shape_cast %get3A_557 : vector<1x16xi32> to vector<16xi32>
        %broadcast_in_dim3A_559 = arith.constant -65536 : i32
        %broadcast_in_dim3A_560 = vector.broadcast %broadcast_in_dim3A_559 : i32 to vector<16xi32>
        %and3A_561 = arith.andi %get3A_558, %broadcast_in_dim3A_560 : vector<16xi32>
        %bitcast_convert_type3A_562 = tpu.bitcast %and3A_561 : vector<16xi32> -> vector<16xf32>
        %swap3A_563 = arith.constant 1 : i32
        %swap3A_564 = arith.index_cast %rem3A_241 : i32 to index
        %swap3A_565 = arith.index_cast %scan3A_359 : i32 to index
        %swap3A_566 = arith.index_cast %swap3A_563 : i32 to index
        %swap3A_567 = arith.constant 80 : index
        %swap3A_568 = tpu.vector_load %arg8[%swap3A_564, %swap3A_565, %swap3A_566, %swap3A_567] {strides = array<i32>} : memref<2x32x2x128xf32, #tpu.memory_space<vmem>>, vector<1x1x1x16xf32>,
        %swap3A_569 = vector.shape_cast %swap3A_568 : vector<1x1x1x16xf32> to vector<16xf32>
        %swap3A_570 = vector.shape_cast %bitcast_convert_type3A_562 : vector<16xf32> to vector<1x1x1x16xf32>
        tpu.vector_store %arg8[%swap3A_564, %swap3A_565, %swap3A_566, %swap3A_567], %swap3A_570 {strides = array<i32>} : memref<2x32x2x128xf32, #tpu.memory_space<vmem>>, vector<1x1x1x16xf32>,
        %mul3A_571 = arith.constant 128 : i32
        %mul3A_572 = arith.muli %scan3A_359, %mul3A_571 : i32
        %add3A_573 = arith.constant 96 : i32
        %add3A_574 = arith.addi %mul3A_572, %add3A_573 : i32
        %get3A_575 = arith.index_cast %rem3A_241 : i32 to index
        %get3A_576 = arith.index_cast %add3A_574 : i32 to index
        %get3A_577 = tpu.vector_load %arg7[%get3A_575, %get3A_576] {strides = array<i32>} : memref<2x4096xi32, #tpu.memory_space<vmem>>, vector<1x16xi32>,
        %get3A_578 = vector.shape_cast %get3A_577 : vector<1x16xi32> to vector<16xi32>
        %broadcast_in_dim3A_579 = arith.constant 16 : i32
        %broadcast_in_dim3A_580 = vector.broadcast %broadcast_in_dim3A_579 : i32 to vector<16xi32>
        %shift_left3A_581 = arith.shli %get3A_578, %broadcast_in_dim3A_580 : vector<16xi32>
        %bitcast_convert_type3A_582 = tpu.bitcast %shift_left3A_581 : vector<16xi32> -> vector<16xf32>
        %swap3A_583 = arith.constant 0 : i32
        %swap3A_584 = arith.index_cast %rem3A_241 : i32 to index
        %swap3A_585 = arith.index_cast %scan3A_359 : i32 to index
        %swap3A_586 = arith.index_cast %swap3A_583 : i32 to index
        %swap3A_587 = arith.constant 96 : index
        %swap3A_588 = tpu.vector_load %arg8[%swap3A_584, %swap3A_585, %swap3A_586, %swap3A_587] {strides = array<i32>} : memref<2x32x2x128xf32, #tpu.memory_space<vmem>>, vector<1x1x1x16xf32>,
        %swap3A_589 = vector.shape_cast %swap3A_588 : vector<1x1x1x16xf32> to vector<16xf32>
        %swap3A_590 = vector.shape_cast %bitcast_convert_type3A_582 : vector<16xf32> to vector<1x1x1x16xf32>
        tpu.vector_store %arg8[%swap3A_584, %swap3A_585, %swap3A_586, %swap3A_587], %swap3A_590 {strides = array<i32>} : memref<2x32x2x128xf32, #tpu.memory_space<vmem>>, vector<1x1x1x16xf32>,
        %get3A_591 = arith.index_cast %rem3A_241 : i32 to index
        %get3A_592 = arith.index_cast %add3A_574 : i32 to index
        %get3A_593 = tpu.vector_load %arg7[%get3A_591, %get3A_592] {strides = array<i32>} : memref<2x4096xi32, #tpu.memory_space<vmem>>, vector<1x16xi32>,
        %get3A_594 = vector.shape_cast %get3A_593 : vector<1x16xi32> to vector<16xi32>
        %broadcast_in_dim3A_595 = arith.constant -65536 : i32
        %broadcast_in_dim3A_596 = vector.broadcast %broadcast_in_dim3A_595 : i32 to vector<16xi32>
        %and3A_597 = arith.andi %get3A_594, %broadcast_in_dim3A_596 : vector<16xi32>
        %bitcast_convert_type3A_598 = tpu.bitcast %and3A_597 : vector<16xi32> -> vector<16xf32>
        %swap3A_599 = arith.constant 1 : i32
        %swap3A_600 = arith.index_cast %rem3A_241 : i32 to index
        %swap3A_601 = arith.index_cast %scan3A_359 : i32 to index
        %swap3A_602 = arith.index_cast %swap3A_599 : i32 to index
        %swap3A_603 = arith.constant 96 : index
        %swap3A_604 = tpu.vector_load %arg8[%swap3A_600, %swap3A_601, %swap3A_602, %swap3A_603] {strides = array<i32>} : memref<2x32x2x128xf32, #tpu.memory_space<vmem>>, vector<1x1x1x16xf32>,
        %swap3A_605 = vector.shape_cast %swap3A_604 : vector<1x1x1x16xf32> to vector<16xf32>
        %swap3A_606 = vector.shape_cast %bitcast_convert_type3A_598 : vector<16xf32> to vector<1x1x1x16xf32>
        tpu.vector_store %arg8[%swap3A_600, %swap3A_601, %swap3A_602, %swap3A_603], %swap3A_606 {strides = array<i32>} : memref<2x32x2x128xf32, #tpu.memory_space<vmem>>, vector<1x1x1x16xf32>,
        %mul3A_607 = arith.constant 128 : i32
        %mul3A_608 = arith.muli %scan3A_359, %mul3A_607 : i32
        %add3A_609 = arith.constant 112 : i32
        %add3A_610 = arith.addi %mul3A_608, %add3A_609 : i32
        %get3A_611 = arith.index_cast %rem3A_241 : i32 to index
        %get3A_612 = arith.index_cast %add3A_610 : i32 to index
        %get3A_613 = tpu.vector_load %arg7[%get3A_611, %get3A_612] {strides = array<i32>} : memref<2x4096xi32, #tpu.memory_space<vmem>>, vector<1x16xi32>,
        %get3A_614 = vector.shape_cast %get3A_613 : vector<1x16xi32> to vector<16xi32>
        %broadcast_in_dim3A_615 = arith.constant 16 : i32
        %broadcast_in_dim3A_616 = vector.broadcast %broadcast_in_dim3A_615 : i32 to vector<16xi32>
        %shift_left3A_617 = arith.shli %get3A_614, %broadcast_in_dim3A_616 : vector<16xi32>
        %bitcast_convert_type3A_618 = tpu.bitcast %shift_left3A_617 : vector<16xi32> -> vector<16xf32>
        %swap3A_619 = arith.constant 0 : i32
        %swap3A_620 = arith.index_cast %rem3A_241 : i32 to index
        %swap3A_621 = arith.index_cast %scan3A_359 : i32 to index
        %swap3A_622 = arith.index_cast %swap3A_619 : i32 to index
        %swap3A_623 = arith.constant 112 : index
        %swap3A_624 = tpu.vector_load %arg8[%swap3A_620, %swap3A_621, %swap3A_622, %swap3A_623] {strides = array<i32>} : memref<2x32x2x128xf32, #tpu.memory_space<vmem>>, vector<1x1x1x16xf32>,
        %swap3A_625 = vector.shape_cast %swap3A_624 : vector<1x1x1x16xf32> to vector<16xf32>
        %swap3A_626 = vector.shape_cast %bitcast_convert_type3A_618 : vector<16xf32> to vector<1x1x1x16xf32>
        tpu.vector_store %arg8[%swap3A_620, %swap3A_621, %swap3A_622, %swap3A_623], %swap3A_626 {strides = array<i32>} : memref<2x32x2x128xf32, #tpu.memory_space<vmem>>, vector<1x1x1x16xf32>,
        %get3A_627 = arith.index_cast %rem3A_241 : i32 to index
        %get3A_628 = arith.index_cast %add3A_610 : i32 to index
        %get3A_629 = tpu.vector_load %arg7[%get3A_627, %get3A_628] {strides = array<i32>} : memref<2x4096xi32, #tpu.memory_space<vmem>>, vector<1x16xi32>,
        %get3A_630 = vector.shape_cast %get3A_629 : vector<1x16xi32> to vector<16xi32>
        %broadcast_in_dim3A_631 = arith.constant -65536 : i32
        %broadcast_in_dim3A_632 = vector.broadcast %broadcast_in_dim3A_631 : i32 to vector<16xi32>
        %and3A_633 = arith.andi %get3A_630, %broadcast_in_dim3A_632 : vector<16xi32>
        %bitcast_convert_type3A_634 = tpu.bitcast %and3A_633 : vector<16xi32> -> vector<16xf32>
        %swap3A_635 = arith.constant 1 : i32
        %swap3A_636 = arith.index_cast %rem3A_241 : i32 to index
        %swap3A_637 = arith.index_cast %scan3A_359 : i32 to index
        %swap3A_638 = arith.index_cast %swap3A_635 : i32 to index
        %swap3A_639 = arith.constant 112 : index
        %swap3A_640 = tpu.vector_load %arg8[%swap3A_636, %swap3A_637, %swap3A_638, %swap3A_639] {strides = array<i32>} : memref<2x32x2x128xf32, #tpu.memory_space<vmem>>, vector<1x1x1x16xf32>,
        %swap3A_641 = vector.shape_cast %swap3A_640 : vector<1x1x1x16xf32> to vector<16xf32>
        %swap3A_642 = vector.shape_cast %bitcast_convert_type3A_634 : vector<16xf32> to vector<1x1x1x16xf32>
        tpu.vector_store %arg8[%swap3A_636, %swap3A_637, %swap3A_638, %swap3A_639], %swap3A_642 {strides = array<i32>} : memref<2x32x2x128xf32, #tpu.memory_space<vmem>>, vector<1x1x1x16xf32>,
      }
      %scan3A_314 = arith.constant 32 : i32
      %jit3A_315 = arith.constant 128 : i32
      %div3A_316 = arith.divsi %mul3A_287, %jit3A_315 : i32
      %sign3A_317 = arith.constant 0 : i32
      %sign3A_318 = arith.cmpi sgt, %mul3A_287, %sign3A_317 : i32
      %sign3A_319 = arith.extui %sign3A_318 : i1 to i32
      %sign3A_320 = arith.constant 0 : i32
      %sign3A_321 = arith.cmpi slt, %mul3A_287, %sign3A_320 : i32
      %sign3A_322 = arith.extui %sign3A_321 : i1 to i32
      %sign3A_323 = arith.subi %sign3A_319, %sign3A_322 : i32
      %sign3A_324 = arith.constant 0 : i32
      %sign3A_325 = arith.cmpi sgt, %jit3A_315, %sign3A_324 : i32
      %sign3A_326 = arith.extui %sign3A_325 : i1 to i32
      %sign3A_327 = arith.constant 0 : i32
      %sign3A_328 = arith.cmpi slt, %jit3A_315, %sign3A_327 : i32
      %sign3A_329 = arith.extui %sign3A_328 : i1 to i32
      %sign3A_330 = arith.subi %sign3A_326, %sign3A_329 : i32
      %ne3A_331 = arith.cmpi ne, %sign3A_323, %sign3A_330 : i32
      %rem3A_332 = arith.remsi %mul3A_287, %jit3A_315 : i32
      %ne3A_333 = arith.constant 0 : i32
      %ne3A_334 = arith.cmpi ne, %rem3A_332, %ne3A_333 : i32
      %and3A_335 = arith.andi %ne3A_331, %ne3A_334 : i1
      %sub3A_336 = arith.constant 1 : i32
      %sub3A_337 = arith.subi %div3A_316, %sub3A_336 : i32
      %select_n3A_338 = arith.select %and3A_335, %sub3A_337, %div3A_316 : i32
      %dma_start3A_339 = arith.constant 0 : i32
      %dma_start3A_340 = arith.constant 0 : i32
      %dma_start3A_341 = arith.constant 0 : i32
      %dma_start3A_342 = tpu.memref_slice %arg8[%rem3A_241, %dma_start3A_339, %dma_start3A_340, %dma_start3A_341] : memref<2x32x2x128xf32, #tpu.memory_space<vmem>> -> memref<1x32x2x128xf32, #tpu.memory_space<vmem>>
      %dma_start3A_343 = tpu.memref_squeeze %dma_start3A_342 : memref<1x32x2x128xf32, #tpu.memory_space<vmem>> -> memref<32x2x128xf32, #tpu.memory_space<vmem>>
      %dma_start3A_344 = arith.constant 0 : i32
      %dma_start3A_345 = arith.constant 0 : i32
      %dma_start3A_346 = tpu.memref_slice %arg4[%select_n3A_269, %select_n3A_338, %dma_start3A_344, %dma_start3A_345] : memref<200x128x2x128xf32, #tpu.memory_space<hbm>> -> memref<1x32x2x128xf32, #tpu.memory_space<hbm>>
      %dma_start3A_347 = tpu.memref_squeeze %dma_start3A_346 : memref<1x32x2x128xf32, #tpu.memory_space<hbm>> -> memref<32x2x128xf32, #tpu.memory_space<hbm>>
      %dma_start3A_348 = tpu.memref_slice %arg10[%rem3A_241] : memref<2x!tpu.dma_semaphore, #tpu.memory_space<semaphore_mem>> -> memref<1x!tpu.dma_semaphore, #tpu.memory_space<semaphore_mem>>
      %dma_start3A_349 = tpu.memref_squeeze %dma_start3A_348 : memref<1x!tpu.dma_semaphore, #tpu.memory_space<semaphore_mem>> -> memref<!tpu.dma_semaphore, #tpu.memory_space<semaphore_mem>>
      %dma_start3A_350 = arith.constant 0 : i32
      %dma_start3A_351 = arith.constant 0 : i32
      %dma_start3A_352 = tpu.memref_slice %arg4[%select_n3A_269, %select_n3A_338, %dma_start3A_350, %dma_start3A_351] : memref<200x128x2x128xf32, #tpu.memory_space<hbm>> -> memref<1x32x2x128xf32, #tpu.memory_space<hbm>>
      %dma_start3A_353 = tpu.memref_squeeze %dma_start3A_352 : memref<1x32x2x128xf32, #tpu.memory_space<hbm>> -> memref<32x2x128xf32, #tpu.memory_space<hbm>>
      %dma_start3A_354 = arith.constant 0 : i32
      %dma_start3A_355 = arith.constant 0 : i32
      %dma_start3A_356 = arith.constant 0 : i32
      %dma_start3A_357 = tpu.memref_slice %arg8[%rem3A_241, %dma_start3A_354, %dma_start3A_355, %dma_start3A_356] : memref<2x32x2x128xf32, #tpu.memory_space<vmem>> -> memref<1x32x2x128xf32, #tpu.memory_space<vmem>>
      %dma_start3A_358 = tpu.memref_squeeze %dma_start3A_357 : memref<1x32x2x128xf32, #tpu.memory_space<vmem>> -> memref<32x2x128xf32, #tpu.memory_space<vmem>>
      tpu.enqueue_dma source(%dma_start3A_358 : memref<32x2x128xf32, #tpu.memory_space<vmem>>) target(%dma_start3A_353 : memref<32x2x128xf32, #tpu.memory_space<hbm>>) target_semaphore(%dma_start3A_349 : memref<!tpu.dma_semaphore, #tpu.memory_space<semaphore_mem>>)
    }
    %scan3A_54 = arith.constant 25 : i32
    %add3A_55 = arith.constant 25 : i32
    %add3A_56 = arith.addi %mul3A_2, %add3A_55 : i32
    %sub3A_57 = arith.constant 2 : i32
    %sub3A_58 = arith.subi %add3A_56, %sub3A_57 : i32
    %jit3A_59 = arith.constant 4 : i32
    %div3A_60 = arith.divsi %sub3A_58, %jit3A_59 : i32
    %sign3A_61 = arith.constant 0 : i32
    %sign3A_62 = arith.cmpi sgt, %sub3A_58, %sign3A_61 : i32
    %sign3A_63 = arith.extui %sign3A_62 : i1 to i32
    %sign3A_64 = arith.constant 0 : i32
    %sign3A_65 = arith.cmpi slt, %sub3A_58, %sign3A_64 : i32
    %sign3A_66 = arith.extui %sign3A_65 : i1 to i32
    %sign3A_67 = arith.subi %sign3A_63, %sign3A_66 : i32
    %sign3A_68 = arith.constant 0 : i32
    %sign3A_69 = arith.cmpi sgt, %jit3A_59, %sign3A_68 : i32
    %sign3A_70 = arith.extui %sign3A_69 : i1 to i32
    %sign3A_71 = arith.constant 0 : i32
    %sign3A_72 = arith.cmpi slt, %jit3A_59, %sign3A_71 : i32
    %sign3A_73 = arith.extui %sign3A_72 : i1 to i32
    %sign3A_74 = arith.subi %sign3A_70, %sign3A_73 : i32
    %ne3A_75 = arith.cmpi ne, %sign3A_67, %sign3A_74 : i32
    %rem3A_76 = arith.remsi %sub3A_58, %jit3A_59 : i32
    %ne3A_77 = arith.constant 0 : i32
    %ne3A_78 = arith.cmpi ne, %rem3A_76, %ne3A_77 : i32
    %and3A_79 = arith.andi %ne3A_75, %ne3A_78 : i1
    %sub3A_80 = arith.constant 1 : i32
    %sub3A_81 = arith.subi %div3A_60, %sub3A_80 : i32
    %select_n3A_82 = arith.select %and3A_79, %sub3A_81, %div3A_60 : i32
    %jit3A_83 = arith.constant 4 : i32
    %eq3A_84 = arith.constant 0 : i32
    %eq3A_85 = arith.cmpi eq, %jit3A_83, %eq3A_84 : i32
    %jit3A_86 = arith.constant 1 : i32
    %select_n3A_87 = arith.select %eq3A_85, %jit3A_86, %jit3A_83 : i32
    %rem3A_88 = arith.remsi %sub3A_58, %select_n3A_87 : i32
    %ne3A_89 = arith.constant 0 : i32
    %ne3A_90 = arith.cmpi ne, %rem3A_88, %ne3A_89 : i32
    %lt3A_91 = arith.constant 0 : i32
    %lt3A_92 = arith.cmpi slt, %rem3A_88, %lt3A_91 : i32
    %lt3A_93 = arith.constant 0 : i32
    %lt3A_94 = arith.cmpi slt, %select_n3A_87, %lt3A_93 : i32
    %ne3A_95 = arith.xori %lt3A_92, %lt3A_94 : i1
    %and3A_96 = arith.andi %ne3A_95, %ne3A_90 : i1
    %add3A_97 = arith.addi %rem3A_88, %select_n3A_87 : i32
    %select_n3A_98 = arith.select %and3A_96, %add3A_97, %rem3A_88 : i32
    %mul3A_99 = arith.constant 4096 : i32
    %mul3A_100 = arith.muli %select_n3A_98, %mul3A_99 : i32
    %jit3A_101 = arith.constant 128 : i32
    %div3A_102 = arith.divsi %mul3A_100, %jit3A_101 : i32
    %sign3A_103 = arith.constant 0 : i32
    %sign3A_104 = arith.cmpi sgt, %mul3A_100, %sign3A_103 : i32
    %sign3A_105 = arith.extui %sign3A_104 : i1 to i32
    %sign3A_106 = arith.constant 0 : i32
    %sign3A_107 = arith.cmpi slt, %mul3A_100, %sign3A_106 : i32
    %sign3A_108 = arith.extui %sign3A_107 : i1 to i32
    %sign3A_109 = arith.subi %sign3A_105, %sign3A_108 : i32
    %sign3A_110 = arith.constant 0 : i32
    %sign3A_111 = arith.cmpi sgt, %jit3A_101, %sign3A_110 : i32
    %sign3A_112 = arith.extui %sign3A_111 : i1 to i32
    %sign3A_113 = arith.constant 0 : i32
    %sign3A_114 = arith.cmpi slt, %jit3A_101, %sign3A_113 : i32
    %sign3A_115 = arith.extui %sign3A_114 : i1 to i32
    %sign3A_116 = arith.subi %sign3A_112, %sign3A_115 : i32
    %ne3A_117 = arith.cmpi ne, %sign3A_109, %sign3A_116 : i32
    %rem3A_118 = arith.remsi %mul3A_100, %jit3A_101 : i32
    %ne3A_119 = arith.constant 0 : i32
    %ne3A_120 = arith.cmpi ne, %rem3A_118, %ne3A_119 : i32
    %and3A_121 = arith.andi %ne3A_117, %ne3A_120 : i1
    %sub3A_122 = arith.constant 1 : i32
    %sub3A_123 = arith.subi %div3A_102, %sub3A_122 : i32
    %select_n3A_124 = arith.select %and3A_121, %sub3A_123, %div3A_102 : i32
    %dma_wait3A = arith.constant 1 : i32
    %dma_wait3A_125 = arith.constant 1 : i32
    %dma_wait3A_126 = arith.constant 0 : i32
    %dma_wait3A_127 = arith.constant 0 : i32
    %dma_wait3A_128 = arith.constant 0 : i32
    %dma_wait3A_129 = tpu.memref_slice %arg8[%dma_wait3A, %dma_wait3A_126, %dma_wait3A_127, %dma_wait3A_128] : memref<2x32x2x128xf32, #tpu.memory_space<vmem>> -> memref<1x32x2x128xf32, #tpu.memory_space<vmem>>
    %dma_wait3A_130 = tpu.memref_squeeze %dma_wait3A_129 : memref<1x32x2x128xf32, #tpu.memory_space<vmem>> -> memref<32x2x128xf32, #tpu.memory_space<vmem>>
    %dma_wait3A_131 = arith.constant 0 : i32
    %dma_wait3A_132 = arith.constant 0 : i32
    %dma_wait3A_133 = tpu.memref_slice %arg4[%select_n3A_82, %select_n3A_124, %dma_wait3A_131, %dma_wait3A_132] : memref<200x128x2x128xf32, #tpu.memory_space<hbm>> -> memref<1x32x2x128xf32, #tpu.memory_space<hbm>>
    %dma_wait3A_134 = tpu.memref_squeeze %dma_wait3A_133 : memref<1x32x2x128xf32, #tpu.memory_space<hbm>> -> memref<32x2x128xf32, #tpu.memory_space<hbm>>
    %dma_wait3A_135 = tpu.memref_slice %arg10[%dma_wait3A_125] : memref<2x!tpu.dma_semaphore, #tpu.memory_space<semaphore_mem>> -> memref<1x!tpu.dma_semaphore, #tpu.memory_space<semaphore_mem>>
    %dma_wait3A_136 = tpu.memref_squeeze %dma_wait3A_135 : memref<1x!tpu.dma_semaphore, #tpu.memory_space<semaphore_mem>> -> memref<!tpu.dma_semaphore, #tpu.memory_space<semaphore_mem>>
    %dma_wait3A_137 = arith.constant 0 : i32
    %dma_wait3A_138 = arith.constant 0 : i32
    %dma_wait3A_139 = tpu.memref_slice %arg4[%select_n3A_82, %select_n3A_124, %dma_wait3A_137, %dma_wait3A_138] : memref<200x128x2x128xf32, #tpu.memory_space<hbm>> -> memref<1x32x2x128xf32, #tpu.memory_space<hbm>>
    %dma_wait3A_140 = tpu.memref_squeeze %dma_wait3A_139 : memref<1x32x2x128xf32, #tpu.memory_space<hbm>> -> memref<32x2x128xf32, #tpu.memory_space<hbm>>
    %dma_wait3A_141 = arith.constant 0 : i32
    %dma_wait3A_142 = arith.constant 0 : i32
    %dma_wait3A_143 = arith.constant 0 : i32
    %dma_wait3A_144 = tpu.memref_slice %arg8[%dma_wait3A, %dma_wait3A_141, %dma_wait3A_142, %dma_wait3A_143] : memref<2x32x2x128xf32, #tpu.memory_space<vmem>> -> memref<1x32x2x128xf32, #tpu.memory_space<vmem>>
    %dma_wait3A_145 = tpu.memref_squeeze %dma_wait3A_144 : memref<1x32x2x128xf32, #tpu.memory_space<vmem>> -> memref<32x2x128xf32, #tpu.memory_space<vmem>>
    tpu.wait_dma2 semaphore(%dma_wait3A_136 : memref<!tpu.dma_semaphore, #tpu.memory_space<semaphore_mem>>) src(%dma_wait3A_145 : memref<32x2x128xf32, #tpu.memory_space<vmem>>) dst(%dma_wait3A_140 : memref<32x2x128xf32, #tpu.memory_space<hbm>>)
    %add3A_146 = arith.constant 25 : i32
    %add3A_147 = arith.addi %mul3A_2, %add3A_146 : i32
    %sub3A_148 = arith.constant 1 : i32
    %sub3A_149 = arith.subi %add3A_147, %sub3A_148 : i32
    %jit3A_150 = arith.constant 4 : i32
    %div3A_151 = arith.divsi %sub3A_149, %jit3A_150 : i32
    %sign3A_152 = arith.constant 0 : i32
    %sign3A_153 = arith.cmpi sgt, %sub3A_149, %sign3A_152 : i32
    %sign3A_154 = arith.extui %sign3A_153 : i1 to i32
    %sign3A_155 = arith.constant 0 : i32
    %sign3A_156 = arith.cmpi slt, %sub3A_149, %sign3A_155 : i32
    %sign3A_157 = arith.extui %sign3A_156 : i1 to i32
    %sign3A_158 = arith.subi %sign3A_154, %sign3A_157 : i32
    %sign3A_159 = arith.constant 0 : i32
    %sign3A_160 = arith.cmpi sgt, %jit3A_150, %sign3A_159 : i32
    %sign3A_161 = arith.extui %sign3A_160 : i1 to i32
    %sign3A_162 = arith.constant 0 : i32
    %sign3A_163 = arith.cmpi slt, %jit3A_150, %sign3A_162 : i32
    %sign3A_164 = arith.extui %sign3A_163 : i1 to i32
    %sign3A_165 = arith.subi %sign3A_161, %sign3A_164 : i32
    %ne3A_166 = arith.cmpi ne, %sign3A_158, %sign3A_165 : i32
    %rem3A_167 = arith.remsi %sub3A_149, %jit3A_150 : i32
    %ne3A_168 = arith.constant 0 : i32
    %ne3A_169 = arith.cmpi ne, %rem3A_167, %ne3A_168 : i32
    %and3A_170 = arith.andi %ne3A_166, %ne3A_169 : i1
    %sub3A_171 = arith.constant 1 : i32
    %sub3A_172 = arith.subi %div3A_151, %sub3A_171 : i32
    %select_n3A_173 = arith.select %and3A_170, %sub3A_172, %div3A_151 : i32
    %jit3A_174 = arith.constant 4 : i32
    %eq3A_175 = arith.constant 0 : i32
    %eq3A_176 = arith.cmpi eq, %jit3A_174, %eq3A_175 : i32
    %jit3A_177 = arith.constant 1 : i32
    %select_n3A_178 = arith.select %eq3A_176, %jit3A_177, %jit3A_174 : i32
    %rem3A_179 = arith.remsi %sub3A_149, %select_n3A_178 : i32
    %ne3A_180 = arith.constant 0 : i32
    %ne3A_181 = arith.cmpi ne, %rem3A_179, %ne3A_180 : i32
    %lt3A_182 = arith.constant 0 : i32
    %lt3A_183 = arith.cmpi slt, %rem3A_179, %lt3A_182 : i32
    %lt3A_184 = arith.constant 0 : i32
    %lt3A_185 = arith.cmpi slt, %select_n3A_178, %lt3A_184 : i32
    %ne3A_186 = arith.xori %lt3A_183, %lt3A_185 : i1
    %and3A_187 = arith.andi %ne3A_186, %ne3A_181 : i1
    %add3A_188 = arith.addi %rem3A_179, %select_n3A_178 : i32
    %select_n3A_189 = arith.select %and3A_187, %add3A_188, %rem3A_179 : i32
    %mul3A_190 = arith.constant 4096 : i32
    %mul3A_191 = arith.muli %select_n3A_189, %mul3A_190 : i32
    %jit3A_192 = arith.constant 128 : i32
    %div3A_193 = arith.divsi %mul3A_191, %jit3A_192 : i32
    %sign3A_194 = arith.constant 0 : i32
    %sign3A_195 = arith.cmpi sgt, %mul3A_191, %sign3A_194 : i32
    %sign3A_196 = arith.extui %sign3A_195 : i1 to i32
    %sign3A_197 = arith.constant 0 : i32
    %sign3A_198 = arith.cmpi slt, %mul3A_191, %sign3A_197 : i32
    %sign3A_199 = arith.extui %sign3A_198 : i1 to i32
    %sign3A_200 = arith.subi %sign3A_196, %sign3A_199 : i32
    %sign3A_201 = arith.constant 0 : i32
    %sign3A_202 = arith.cmpi sgt, %jit3A_192, %sign3A_201 : i32
    %sign3A_203 = arith.extui %sign3A_202 : i1 to i32
    %sign3A_204 = arith.constant 0 : i32
    %sign3A_205 = arith.cmpi slt, %jit3A_192, %sign3A_204 : i32
    %sign3A_206 = arith.extui %sign3A_205 : i1 to i32
    %sign3A_207 = arith.subi %sign3A_203, %sign3A_206 : i32
    %ne3A_208 = arith.cmpi ne, %sign3A_200, %sign3A_207 : i32
    %rem3A_209 = arith.remsi %mul3A_191, %jit3A_192 : i32
    %ne3A_210 = arith.constant 0 : i32
    %ne3A_211 = arith.cmpi ne, %rem3A_209, %ne3A_210 : i32
    %and3A_212 = arith.andi %ne3A_208, %ne3A_211 : i1
    %sub3A_213 = arith.constant 1 : i32
    %sub3A_214 = arith.subi %div3A_193, %sub3A_213 : i32
    %select_n3A_215 = arith.select %and3A_212, %sub3A_214, %div3A_193 : i32
    %dma_wait3A_216 = arith.constant 0 : i32
    %dma_wait3A_217 = arith.constant 0 : i32
    %dma_wait3A_218 = arith.constant 0 : i32
    %dma_wait3A_219 = arith.constant 0 : i32
    %dma_wait3A_220 = arith.constant 0 : i32
    %dma_wait3A_221 = tpu.memref_slice %arg8[%dma_wait3A_216, %dma_wait3A_218, %dma_wait3A_219, %dma_wait3A_220] : memref<2x32x2x128xf32, #tpu.memory_space<vmem>> -> memref<1x32x2x128xf32, #tpu.memory_space<vmem>>
    %dma_wait3A_222 = tpu.memref_squeeze %dma_wait3A_221 : memref<1x32x2x128xf32, #tpu.memory_space<vmem>> -> memref<32x2x128xf32, #tpu.memory_space<vmem>>
    %dma_wait3A_223 = arith.constant 0 : i32
    %dma_wait3A_224 = arith.constant 0 : i32
    %dma_wait3A_225 = tpu.memref_slice %arg4[%select_n3A_173, %select_n3A_215, %dma_wait3A_223, %dma_wait3A_224] : memref<200x128x2x128xf32, #tpu.memory_space<hbm>> -> memref<1x32x2x128xf32, #tpu.memory_space<hbm>>
    %dma_wait3A_226 = tpu.memref_squeeze %dma_wait3A_225 : memref<1x32x2x128xf32, #tpu.memory_space<hbm>> -> memref<32x2x128xf32, #tpu.memory_space<hbm>>
    %dma_wait3A_227 = tpu.memref_slice %arg10[%dma_wait3A_217] : memref<2x!tpu.dma_semaphore, #tpu.memory_space<semaphore_mem>> -> memref<1x!tpu.dma_semaphore, #tpu.memory_space<semaphore_mem>>
    %dma_wait3A_228 = tpu.memref_squeeze %dma_wait3A_227 : memref<1x!tpu.dma_semaphore, #tpu.memory_space<semaphore_mem>> -> memref<!tpu.dma_semaphore, #tpu.memory_space<semaphore_mem>>
    %dma_wait3A_229 = arith.constant 0 : i32
    %dma_wait3A_230 = arith.constant 0 : i32
    %dma_wait3A_231 = tpu.memref_slice %arg4[%select_n3A_173, %select_n3A_215, %dma_wait3A_229, %dma_wait3A_230] : memref<200x128x2x128xf32, #tpu.memory_space<hbm>> -> memref<1x32x2x128xf32, #tpu.memory_space<hbm>>
    %dma_wait3A_232 = tpu.memref_squeeze %dma_wait3A_231 : memref<1x32x2x128xf32, #tpu.memory_space<hbm>> -> memref<32x2x128xf32, #tpu.memory_space<hbm>>
    %dma_wait3A_233 = arith.constant 0 : i32
    %dma_wait3A_234 = arith.constant 0 : i32
    %dma_wait3A_235 = arith.constant 0 : i32
    %dma_wait3A_236 = tpu.memref_slice %arg8[%dma_wait3A_216, %dma_wait3A_233, %dma_wait3A_234, %dma_wait3A_235] : memref<2x32x2x128xf32, #tpu.memory_space<vmem>> -> memref<1x32x2x128xf32, #tpu.memory_space<vmem>>
    %dma_wait3A_237 = tpu.memref_squeeze %dma_wait3A_236 : memref<1x32x2x128xf32, #tpu.memory_space<vmem>> -> memref<32x2x128xf32, #tpu.memory_space<vmem>>
    tpu.wait_dma2 semaphore(%dma_wait3A_228 : memref<!tpu.dma_semaphore, #tpu.memory_space<semaphore_mem>>) src(%dma_wait3A_237 : memref<32x2x128xf32, #tpu.memory_space<vmem>>) dst(%dma_wait3A_232 : memref<32x2x128xf32, #tpu.memory_space<hbm>>)
    return
  }
}

module attributes {stable_mosaic.version = 14 : i64} {
  func.func @_proj_body(%arg0: i32, %arg1: memref<64x49152xf32, #tpu.memory_space<vmem>>, %arg2: memref<2x64xf32, #tpu.memory_space<vmem>>, %arg3: memref<2x1xf32, #tpu.memory_space<vmem>>, %arg4: memref<384x128xi32, #tpu.memory_space<vmem>>) attributes {dimension_semantics = [#tpu.dimension_semantics<arbitrary>], iteration_bounds = array<i64: 21>, scalar_prefetch = 0 : i64, scratch_operands = 0 : i64, tpu.core_type = #tpu.core_type<tc>, window_params = [{transform_indices = @transform_0, window_bounds = array<i64: 64, 49152>}, {pipeline_mode = #tpu.pipeline_mode<synchronous>, transform_indices = @transform_1, window_bounds = array<i64: 2, 64>}, {pipeline_mode = #tpu.pipeline_mode<synchronous>, transform_indices = @transform_2, window_bounds = array<i64: 2, 1>}, {transform_indices = @transform_3, window_bounds = array<i64: 384, 128>}]} {
    %get3A = arith.constant 0 : index
    %get3A_0 = arith.constant 0 : index
    %get3A_1 = vector.load %arg2[%get3A, %get3A_0] : memref<2x64xf32, #tpu.memory_space<vmem>>, vector<2x64xf32>
    %get3A_2 = arith.constant 0 : index
    %get3A_3 = arith.constant 0 : index
    %get3A_4 = vector.load %arg1[%get3A_2, %get3A_3] : memref<64x49152xf32, #tpu.memory_space<vmem>>, vector<64x49152xf32>
    %dot_general3A = arith.constant dense<0.000000e+00> : vector<2x49152xf32>
    %dot_general3A_5 = tpu.matmul %get3A_1, %get3A_4, %dot_general3A {dimension_numbers = #tpu.dot_dimension_numbers<[1], [0], [0], [1], [0, 0, 1, 1], [], []>, transpose_lhs_hint = false} : vector<2x64xf32>, vector<64x49152xf32>, vector<2x49152xf32> -> vector<2x49152xf32>
    %get3A_6 = arith.constant 0 : index
    %get3A_7 = arith.constant 0 : index
    %get3A_8 = vector.load %arg3[%get3A_6, %get3A_7] : memref<2x1xf32, #tpu.memory_space<vmem>>, vector<2x1xf32>
    %add3A = vector.broadcast %get3A_8 : vector<2x1xf32> to vector<2x49152xf32>
    %add3A_9 = arith.addf %dot_general3A_5, %add3A : vector<2x49152xf32>
    %convert_element_type3A = arith.truncf %add3A_9 : vector<2x49152xf32> to vector<2x49152xbf16>
    %bitcast_convert_type3A = tpu.bitcast %convert_element_type3A : vector<2x49152xbf16> -> vector<2x49152xi16>
    %convert_element_type3A_10 = arith.extui %bitcast_convert_type3A : vector<2x49152xi16> to vector<2x49152xi32>
    %slice3A = vector.extract_strided_slice %convert_element_type3A_10 {offsets = [0, 0], sizes = [1, 49152], strides = [1, 1]} : vector<2x49152xi32> to vector<1x49152xi32>
    %squeeze3A = vector.shape_cast %slice3A : vector<1x49152xi32> to vector<49152xi32>
    %slice3A_11 = vector.extract_strided_slice %convert_element_type3A_10 {offsets = [1, 0], sizes = [1, 49152], strides = [1, 1]} : vector<2x49152xi32> to vector<1x49152xi32>
    %squeeze3A_12 = vector.shape_cast %slice3A_11 : vector<1x49152xi32> to vector<49152xi32>
    %shift_left3A = arith.constant 16 : i32
    %shift_left3A_13 = vector.broadcast %shift_left3A : i32 to vector<49152xi32>
    %shift_left3A_14 = arith.shli %squeeze3A_12, %shift_left3A_13 : vector<49152xi32>
    %or3A = arith.ori %squeeze3A, %shift_left3A_14 : vector<49152xi32>
    %reshape3A = vector.shape_cast %or3A : vector<49152xi32> to vector<384x128xi32>
    %swap3A = arith.constant 0 : index
    %swap3A_15 = arith.constant 0 : index
    %swap3A_16 = vector.load %arg4[%swap3A, %swap3A_15] : memref<384x128xi32, #tpu.memory_space<vmem>>, vector<384x128xi32>
    tpu.vector_store %arg4[%swap3A, %swap3A_15], %reshape3A {strides = array<i32>} : memref<384x128xi32, #tpu.memory_space<vmem>>, vector<384x128xi32>,
    return
  }
  func.func @transform_0(%arg0: i32) -> (i32, i32) {
    %c0_i32 = arith.constant 0 : i32
    %c0_i32_0 = arith.constant 0 : i32
    return %c0_i32, %arg0 : i32, i32
  }
  func.func @transform_1(%arg0: i32) -> (i32, i32) {
    %c0_i32 = arith.constant 0 : i32
    %c0_i32_0 = arith.constant 0 : i32
    %c0_i32_1 = arith.constant 0 : i32
    return %c0_i32, %c0_i32_0 : i32, i32
  }
  func.func @transform_2(%arg0: i32) -> (i32, i32) {
    %c0_i32 = arith.constant 0 : i32
    %c0_i32_0 = arith.constant 0 : i32
    %c0_i32_1 = arith.constant 0 : i32
    return %c0_i32, %c0_i32_0 : i32, i32
  }
  func.func @transform_3(%arg0: i32) -> (i32, i32) {
    %c0_i32 = arith.constant 0 : i32
    %c0_i32_0 = arith.constant 0 : i32
    return %arg0, %c0_i32 : i32, i32
  }
}

</mosaic_0001>

<sc_bundles>
// kernel: kernel.4.cloned.1.call-start
scs
__scs_entry_jumppad:
0x0: {  	(pc) =	sbr.rel $0x88, $3  }
0x1: {  	(tag) =	ssettag $0x0;
	lr =	simm.s32 $0x1  }
0x2: {  	[smem:$0x3F9D] =	sst lr;
	_ =	strace $0xD0000000  }
0x3: {  	_ = 	snop  }
0x4: {  	_ = 	snop  }
0x5: {  	_ = 	snop  }
0x6: {  	_ = 	snop  }
0x7: {  	_ = 	snop  }
__scs_overlays_trampoline_lowered:
0x8: {  	[smem:$0x3FAC] =	sst s0  }
0x9: {  	[smem:$0x3FAD] =	sst s1  }
0xa: {  	[smem:$0x3FAE] =	sst s2  }
0xb: {  	[smem:$0x3FAF] =	sst s3  }
0xc: {  	[smem:$0x3FB0] =	sst s4  }
0xd: {  	[smem:$0x3FB1] =	sst s5  }
0xe: {  	[smem:$0x3FB2] =	sst s6  }
0xf: {  	[smem:$0x3FB3] =	sst s7  }
0x10: {  	[smem:$0x3FB4] =	sst s8  }
0x11: {  	[smem:$0x3FB5] =	sst s9;
	s0 =	simm.s32 @!p0 $0x0  }
0x12: {  	s1 =	sld [smem:$0x3F9B];
	s0 =	simm.s32 @p0 $0x1  }
0x13: {  	[smem:$0x3FB6] =	sst s0;
	s0 =	simm.s32 @!p1 $0x0  }
0x14: {  	s2 =	sld [smem:$0x3F9A];
	s0 =	simm.s32 @p1 $0x1  }
0x15: {  	[smem:$0x3FB7] =	sst s0;
	s0 =	simm.s32 @!p2 $0x0  }
0x16: {  	s3 =	sld [smem:$0x3FDB];
	s0 =	simm.s32 @p2 $0x1  }
0x17: {  	s4 =	simm.s32 $0x1BF5;
	[smem:$0x3FB9] =	sst s0  }
0x18: {  	s0 =	sld [smem:$0x3F9C];
	_ =	swait.ge [sflag:s4], $0x0  }
0x19: {  	s7 =	sld [smem:$0x3F9D]  }
0x1a: {  	s8 =	sadd.s32 $0xFFFFE003, lr  }
0x1b: {  	s9 =	sadd.s32 $0xFFFFFEF7, lr;
	s5 =	simm.s32 $0xFFFFFFFF;
	p2 =	slt.u32 s8, $0xFFFFF086  }
0x1c: {  	p1 =	slt.u32 s9, $0xF7A;
	s5 =	simm.s32 @!p2 $0x0  }
0x1d: {  	s5 =	simm.s32 @p1 $0x1;
	p0 =	seq.s32 s7, s2  }
0x1e: {  	s7 =	smul.u32 @!p0 $0xF7A, s2;
	p2 =	seq.s32 @!p0 s5, $0x0  }
0x1f: {  	s9 =	smul.u32 $0xF7A, s1;
	s8 =	simm.s32 @!p0 $0x1BF5;
	p2 =	por !p2, p0  }
0x20: {  	[sflag:s8] =	ssyncset.s32 @!p0 $0xFFFFF086;
	s6 =	sadd.s32 @!p0 s3, s7;
	s7 =	simm.s32 @!p0 $0x108  }
0x21: {  	s3 =	sadd.s32 s3, s9;
	s6 =	sadd.s32 @!p0 $0x88, s6;
	s7 =	simm.s32 @p2 $0x1082  }
0x22: {  	[simem:s7], [sflag:s8] =	dma.local @!p0 [hbm:s6], $0xF7A  }
0x23: {  	s9 =	sor.u32 $0xD0000000, s2;
	s6 =	simm.s32 $0x108;
	_ =	swait.ge @!p0 [sflag:s8], $0x0  }
0x24: {  	s3 =	sadd.s32 $0x88, s3;
	s6 =	simm.s32 @!p1 $0x1082;
	[sflag:s4] =	ssyncset.s32 $0xFFFFF086  }
0x25: {  	[simem:s6], [sflag:s4] =	dma.local [hbm:s3], $0xF7A  }
0x26: {  	[smem:$0x3F9D] =	sst s1;
	(tag) =	ssettag s2;
	_ =	strace s9  }
0x27: {  	s1 =	sld [smem:$0x3FAD]  }
0x28: {  	s2 =	sld [smem:$0x3FAE]  }
0x29: {  	s4 =	sld [smem:$0x3FB0]  }
0x2a: {  	p0 =	seq.s32 s5, $0x0;
	s5 =	sld [smem:$0x3FB1]  }
0x2b: {  	s6 =	sld [smem:$0x3FB2]  }
0x2c: {  	s7 =	sld [smem:$0x3FB3]  }
0x2d: {  	s3 =	simm.s32 $0x108;
	s8 =	sld [smem:$0x3FB4]  }
0x2e: {  	s3 =	simm.s32 @!p0 $0x1082;
	s9 =	sld [smem:$0x3FB5]  }
0x2f: {  	lr =	sadd.s32 s0, s3;
	s0 =	sld [smem:$0x3FAC]  }
0x30: {  	s3 =	sld [smem:$0x3FAF]  }
0x31: {  	[smem:$0x3FB8] =	sst s10  }
0x32: {  	s10 =	sld [smem:$0x3FB6];
	_ =	sdelay $0x3  }
0x33: {  	p0 =	seq.s32 s10, $0x1;
	s10 =	sld [smem:$0x3FB8];
	_ =	sdelay $0x3  }
0x34: {  	[smem:$0x3FB8] =	sst s10  }
0x35: {  	s10 =	sld [smem:$0x3FB7];
	_ =	sdelay $0x3  }
0x36: {  	p1 =	seq.s32 s10, $0x1;
	s10 =	sld [smem:$0x3FB8];
	_ =	sdelay $0x3  }
0x37: {  	[smem:$0x3FB8] =	sst s10  }
0x38: {  	s10 =	sld [smem:$0x3FB9]  }
0x39: {  	_ = 	snop;
	(pc) =	sbr.ind lr, $3  }
0x3a: {  	_ = 	snop  }
0x3b: {  	_ = 	snop  }
0x3c: {  	p2 =	seq.s32 s10, $0x1;
	s10 =	sld [smem:$0x3FB8]  }
0x3d: {  	_ =	shalt  }
0x3e: {  	_ =	shalt  }
0x3f: {  	_ =	shalt  }
0x40: {  	_ =	shalt  }
0x41: {  	_ =	shalt  }
0x42: {  	_ =	shalt  }
0x43: {  	_ =	shalt  }
0x44: {  	_ =	shalt  }
0x45: {  	_ =	shalt  }
0x46: {  	_ =	shalt  }
0x47: {  	_ =	shalt  }
0x48: {  	_ =	shalt  }
0x49: {  	_ =	shalt  }
0x4a: {  	_ =	shalt  }
0x4b: {  	_ =	shalt  }
0x4c: {  	_ =	shalt  }
0x4d: {  	_ =	shalt  }
0x4e: {  	_ =	shalt  }
0x4f: {  	_ =	shalt  }
0x50: {  	_ =	shalt  }
0x51: {  	_ =	shalt  }
0x52: {  	_ =	shalt  }
0x53: {  	_ =	shalt  }
0x54: {  	_ =	shalt  }
0x55: {  	_ =	shalt  }
0x56: {  	_ =	shalt  }
0x57: {  	_ =	shalt  }
0x58: {  	_ =	shalt  }
0x59: {  	_ =	shalt  }
0x5a: {  	_ =	shalt  }
0x5b: {  	_ =	shalt  }
0x5c: {  	_ =	shalt  }
0x5d: {  	_ =	shalt  }
0x5e: {  	_ =	shalt  }
0x5f: {  	_ =	shalt  }
0x60: {  	_ =	shalt  }
0x61: {  	_ =	shalt  }
0x62: {  	_ =	shalt  }
0x63: {  	_ =	shalt  }
0x64: {  	_ =	shalt  }
0x65: {  	_ =	shalt  }
0x66: {  	_ =	shalt  }
0x67: {  	_ =	shalt  }
0x68: {  	_ =	shalt  }
0x69: {  	_ =	shalt  }
0x6a: {  	_ =	shalt  }
0x6b: {  	_ =	shalt  }
0x6c: {  	_ =	shalt  }
0x6d: {  	_ =	shalt  }
0x6e: {  	_ =	shalt  }
0x6f: {  	_ =	shalt  }
0x70: {  	_ =	shalt  }
0x71: {  	_ =	shalt  }
0x72: {  	_ =	shalt  }
0x73: {  	_ =	shalt  }
0x74: {  	_ =	shalt  }
0x75: {  	_ =	shalt  }
0x76: {  	_ =	shalt  }
0x77: {  	_ =	shalt  }
0x78: {  	_ =	shalt  }
0x79: {  	_ =	shalt  }
0x7a: {  	_ =	shalt  }
0x7b: {  	_ =	shalt  }
0x7c: {  	_ =	shalt  }
0x7d: {  	_ =	shalt  }
0x7e: {  	_ =	shalt  }
0x7f: {  	_ =	shalt  }
0x80: {  	_ =	shalt  }
0x81: {  	_ =	shalt  }
0x82: {  	_ =	shalt  }
0x83: {  	_ =	shalt  }
0x84: {  	_ =	shalt  }
0x85: {  	_ =	shalt  }
0x86: {  	_ =	shalt  }
0x87: {  	_ =	shalt  }
.Lfunc_end0:
.L_simem_size_0:
called_computation_lowered:
.L_overlay_start_0:
0x88: {  	s2 =	sld [smem:$0x3FD9]  }
0x89: {  	s3 =	sld [smem:$0x3FFE];
	_ =	sdelay $0x1  }
0x8a: {  	s1 =	srdreg.scid  }
0x8b: {  	s0 =	sand.u32 $0x1, s1  }
0x8c: {  	s17 =	sshll.u32 s0, $0xA;
	s2 =	sadd.s32 s3, s2  }
0x8d: {  	s2 =	sadd.s32 s2, s17  }
0x8e: {  	[smem:$0x3FC4] =	sst s2  }
0x8f: {  	_ = 	snop  }
0x90: {  	s2 =	sld [smem:$0x3FD0];
	(tm) =	ssettm $0x1  }
0x91: {  	s18 =	sld [smem:$0x3FFB];
	_ =	sdelay $0x3  }
0x92: {  	_ =	strace s18  }
0x93: {  	s3 =	sld [smem:$0x3FFC];
	_ =	sdelay $0x3  }
0x94: {  	_ =	strace s3  }
0x95: {  	s3 =	sld [smem:$0x3FFD];
	_ =	sdelay $0x3  }
0x96: {  	_ =	strace s3  }
0x97: {  	_ =	strace $0x8FFFFFFF  }
0x98: {  	s19 =	sld [smem:$0x3FDB];
	_ =	sdelay $0x1  }
0x99: {  	s4 =	simm.s32 $_scs_section_size  }
0x9a: {  	s5 =	simm.s32 $_size__tile_overlayer_lowered;
	s6 =	simm.s32 $_tile_overlayer_lowered  }
0x9b: {  	s22 =	simm.s32 $0x1BFF;
	s21 =	sshll.u32 s6, $0x1;
	s3 =	sadd.s32 s4, s19  }
0x9c: {  	s7 =	simm.s32 $0x0;
	s20 =	sshll.u32 s5, $0x1;
	s5 =	sadd.s32 s21, s3  }
0x9d: {  	[timem:s7], [sflag:s22] =	dma.local [hbm:s5], s20  }
0x9e: {  	_ =	swait.ge [sflag:s22], s20  }
0x9f: {  	s4 =	ssub.s32 $0x0, s20;
	[sflag:s22] =	ssyncset.done $0x0  }
0xa0: {  	[sflag:s22] =	ssyncadd.s32 s4;
	_ =	sdelay $0x1  }
0xa1: {  	s23 =	simm.s32 $0x1B8B  }
0xa2: {  	_ =	swait.ge [sflag:s23], $0x1  }
0xa3: {  	[sflag:s23] =	ssyncset.done $0x0  }
0xa4: {  	s25 =	simm.s32 $0x1B8E;
	s24 =	sld [smem:$0x3FFE];
	[sflag:s23] =	ssyncadd.s32 $0xFFFFFFFF  }
0xa5: {  	s26 =	simm.s32 $execute0_lowered;
	[smem:$0x3FD2] =	sst s25  }
0xa6: {  	s5 =	sshll.u32 s26, $0x1;
	_ =	strace $0x80000046;
	[dreg:$0x1] =	wrdreg $0xFFFFFFFF  }
0xa7: {  	s28 =	simm.s32 $_size_execute0_lowered;
	s3 =	sadd.s32 s3, s5;
	[dreg:$0x0] =	wrdreg $0x0  }
0xa8: {  	s5 =	sshll.u32 s28, $0x1;
	[dreg:$0x2] =	wrdreg s3  }
0xa9: {  	[dreg:$0x3] =	wrdreg s5  }
0xaa: {  	[dreg:$0x4] =	wrdreg $0xC0  }
0xab: {  	_ =	task [dreg:s7], $0x5FFFF  }
0xac: {  	[dreg:$0x1] =	wrdreg $0xFFFFFFFF  }
0xad: {  	[dreg:$0x0] =	wrdreg $0x60  }
0xae: {  	[dreg:$0x2] =	wrdreg s24  }
0xaf: {  	[dreg:$0x3] =	wrdreg s2  }
0xb0: {  	[dreg:$0x4] =	wrdreg $0x0  }
0xb1: {  	[dreg:$0x5] =	wrdreg $0x9  }
0xb2: {  	_ =	task.clear_ibuf [dreg:s7], $0x6FFFF;
	_ =	strace $0x90000046  }
0xb3: {  	s29 =	simm.s32 $0x9;
	_ =	strace $0x80000048  }
0xb4: {  	_ =	swait.ge [sflag:s29], $0x1  }
0xb5: {  	[sflag:s29] =	ssyncadd.s32 $0xFFFFFFFF  }
0xb6: {  	_ =	strace $0x90000048  }
0xb7: {  	_ =	sfence  }
0xb8: {  	s30 =	sld [smem:$0x0];
	_ =	sdelay $0x2  }
0xb9: {  	s31 =	sshll.u32 s1, $0xD;
	s1 =	sshrl.u32 s1, $0x2  }
0xba: {  	s3 =	sand.u32 $0x4000, s31;
	s1 =	sadd.s32 s1, s30  }
0xbb: {  	s0 =	sor.u32 s3, s0;
	s1 =	sshll.u32 s1, $0x11  }
0xbc: {  	s0 =	sor.u32 s1, s0  }
0xbd: {  	s0 =	sadd.s32 $0x8F2B, s0  }
0xbe: {  	[sflag:s0] =	ssyncadd.remote.s32 $0x1  }
0xbf: {  	_ =	sfence.sel $0xFFFF  }
0xc0: {  	[dreg:$0x0] =	wrdreg $0xFFFFFFFF;
	(pc) =	sbr.abs _section_cstart, $3  }
0xc1: {  	[dreg:$0x1] =	wrdreg $0xFFFFFFFF  }
0xc2: {  	_ =	task.clear_ibuf [dreg:s7], $0x2FFFF;
	_ =	strace $0x9FFFFFFF  }
0xc3: {  	(tm) =	ssettm $0x7FFFFFFF  }
tec
execute0_lowered:
.L_overlay_start_1:
0x0: {  	(tag) =	ssettag $0x1  }
0x1: {  	s9 =	rddreg [dreg:$0x0]  }
0x2: {  	s0 =	srdreg.scid;
	s1 =	rddreg [dreg:$0x1]  }
0x3: {  	s8 =	stileid.u32;
	s2 =	rddreg [dreg:$0x2];
	s3 =	simm.s32 $0x0  }
0x4: {  	s11 =	simm.s32 $0x5;
	s12 =	simm.s32 $0x1000;
	s13 =	simm.s32 $0x11C00  }
0x5: {  	s14 =	simm.s32 $0x4;
	s4 =	sand.u32 $0x1, s0;
	s30 =	sshll.u32 s8, $0x1  }
0x6: {  	s15 =	simm.s32 $0x3;
	s0 =	rddreg [dreg:$0x3];
	s5 =	sor.u32 s4, s30  }
0x7: {  	s16 =	simm.s32 $0x0;
	[smem:$0x7FF] =	sst s3;
	s6 =	smul.u32 $0x19000, s5  }
0x8: {  	p0 =	sne.s32 s8, $0x0;
	s8 =	sadd.s32 $0xA00, s9;
	s7 =	sshll.u32 s5, $0xC  }
0x9: {  	_ =	strace $0x80000047;
	s7 =	sand.u32 $0x3000, s7;
	s6 =	sand.u32 $0x3FC000, s6  }
0xa: {  	s31 =	ssub.s32 $0x2, s4;
	s4 =	sadd.s32 $0x64800, s9;
	s6 =	sor.u32 s7, s6  }
0xb: {  	s10 =	sshrl.u32 s31, $0x1;
	s5 =	smul.u32 $0x19, s5;
	s6 =	sshrl.u32 s6, $0x3  }
0xc: {  	s7 =	ssub.s32 s31, s10;
	s10 =	simm.s32 $0xFC00;
	s6 =	sadd.s32 s6, s9  }
0xd: {  	s7 =	smax.u32 s7, $0x1;
	s9 =	sshrl.u32 @!p0 s2, $0x3;
	s6 =	sadd.s32 $0x800, s6  }
.LBB2_1:
0xe: {  	s17 =	simm.s32 @!p0 $0x1C05  }
0xf: {  	[spmem:s9], [sflag:s17] =	dma.local @!p0 [hbm:s4], $0x1F800  }
0x10: {  	s17 =	simm.s32 @!p0 $0x5  }
0x11: {  	_ =	swait.ge @!p0 [sflag:s17], $0x1F800  }
0x12: {  	[sflag:s17] =	ssyncset.done @!p0 $0x0  }
0x13: {  	[sflag:s17] =	ssyncadd.s32 @!p0 $0xFFFE0800  }
0x14: {  	[bflag:$0x0] =	sbarrier.arrive $0xFFFF  }
0x15: {  	[tilespmem:s10], [sflag:$0x5] =	stream.linear.gather [hbm4b:s6+s3], $0x1000, $0x38;
	[tilespmem:$0x17C00] =	vst v63  }
0x16: {  	_ =	swait.ge [sflag:s11], $0x1000  }
0x17: {  	[sflag:s11] =	ssyncset.done $0x0  }
0x18: {  	p1 =	por $0x0, $0x0;
	s17 =	simm.s32 $0x0;
	[sflag:s11] =	ssyncadd.s32 $0xFFFFF000  }
0x19: {  	[tilespmem:s13], [sflag:$0x1] =	stream.indirect.gather [spmem:s2], $0x1, s10, s12, $0xb8;
	[tilespmem:$0x17C00] =	vst v63  }
.LBB2_2:
0x1a: {  	s18 =	sand.u32 $0x1, s17;
	p2 =	slt.u32 s17, $0x2  }
0x1b: {  	s20 =	sadd.s32 @!p2 $0x3, s18  }
0x1c: {  	s19 =	sadd.s32 s5, s17;
	p3 =	seq.s32 @!p2 s17, $0x18;
	_ =	swait.ge @!p2 [sflag:s20], $0x2000  }
0x1d: {  	s17 =	sadd.s32 $0x1, s17;
	p3 =	por p2, !p3;
	[sflag:s20] =	ssyncset.done @!p2 $0x0  }
0x1e: {  	[sflag:s20] =	ssyncadd.s32 @!p2 $0xFFFFE000;
	s20 =	sand.u32 @p3 $0x1, s17  }
0x1f: {  	s21 =	sshll.u32 @p3 s19, $0x9;
	s22 =	sshll.u32 @p3 s20, $0xC  }
0x20: {  	s21 =	sadd.s32 @p3 s8, s21;
	s23 =	sadd.s32 @p3 $0xFC00, s22  }
0x21: {  	[tilespmem:s23], [sflag:$0x5] =	stream.linear.gather @p3 [hbm4b:s21+s3], $0x1000, $0x38;
	[tilespmem:$0x17C00] =	vst v63  }
0x22: {  	_ =	swait.ge @p3 [sflag:s11], $0x1000  }
0x23: {  	[sflag:s11] =	ssyncset.done @p3 $0x0  }
0x24: {  	s20 =	sadd.s32 @p3 $0x1, s20;
	s21 =	sadd.s32 @p3 $0x11C00, s22;
	[sflag:s11] =	ssyncadd.s32 @p3 $0xFFFFF000  }
0x25: {  	[tilespmem:s21], [sflag:s20] =	stream.indirect.gather @p3 [spmem:s2], $0x1, s23, s12, $0xb8;
	[tilespmem:$0x17C00] =	vst v63  }
0x26: {  	s20 =	simm.s32 $0x1  }
0x27: {  	s20 =	simm.s32 @!p1 $0x0  }
0x28: {  	s28 =	sshll.u32 s20, $0xC  }
0x29: {  	s21 =	sadd.s32 $0x11C40, s28  }
0x2a: {  	v0 =	vmov s21  }
0x2b: {  	s29 =	sadd.s32 $0x1, s18  }
0x2c: {  	_ =	swait.ge [sflag:s29], $0x1000  }
0x2d: {  	[sflag:s29] =	ssyncset.done $0x0  }
0x2e: {  	s30 =	simm.s32 $0x0;
	[sflag:s29] =	ssyncadd.s32 $0xFFFFF000  }
0x2f: {  	v1 =	vld.idx.msk [tilespmem:v0+s30+$0xFFFFFFC0 ss:$0x1], $0xffff;
	_ =	sdelay $0x3  }
0x30: {  	s20 =	sshll.u32 s20, $0xD  }
0x31: {  	s21 =	sadd.s32 $0x13C80, s20;
	v1 =	vshll.u32 v1, $0x10  }
0x32: {  	[tilespmem:s21+$0xFFFFFF80] =	vst v1  }
0x33: {  	v1 =	vld.idx.msk [tilespmem:v0+s30+$0xFFFFFFC0 ss:$0x1], $0xffff;
	_ =	sdelay $0x4  }
0x34: {  	v1 =	vand.u32 $0xFFFF0000, v1  }
0x35: {  	[tilespmem:s21+$0x0] =	vst v1  }
0x36: {  	v1 =	vld.idx.msk [tilespmem:v0+s30+$0xFFFFFFD0 ss:$0x1], $0xffff;
	_ =	sdelay $0x4  }
0x37: {  	v1 =	vshll.u32 v1, $0x10  }
0x38: {  	[tilespmem:s21+$0xFFFFFF90] =	vst v1  }
0x39: {  	v1 =	vld.idx.msk [tilespmem:v0+s30+$0xFFFFFFD0 ss:$0x1], $0xffff;
	_ =	sdelay $0x4  }
0x3a: {  	v1 =	vand.u32 $0xFFFF0000, v1  }
0x3b: {  	[tilespmem:s21+$0x10] =	vst v1  }
0x3c: {  	v1 =	vld.idx.msk [tilespmem:v0+s30+$0xFFFFFFE0 ss:$0x1], $0xffff;
	_ =	sdelay $0x4  }
0x3d: {  	v1 =	vshll.u32 v1, $0x10  }
0x3e: {  	[tilespmem:s21+$0xFFFFFFA0] =	vst v1  }
0x3f: {  	v1 =	vld.idx.msk [tilespmem:v0+s30+$0xFFFFFFE0 ss:$0x1], $0xffff;
	_ =	sdelay $0x4  }
0x40: {  	v1 =	vand.u32 $0xFFFF0000, v1  }
0x41: {  	[tilespmem:s21+$0x20] =	vst v1  }
0x42: {  	v1 =	vld.idx.msk [tilespmem:v0+s30+$0xFFFFFFF0 ss:$0x1], $0xffff;
	_ =	sdelay $0x4  }
0x43: {  	v1 =	vshll.u32 v1, $0x10  }
0x44: {  	[tilespmem:s21+$0xFFFFFFB0] =	vst v1  }
0x45: {  	v1 =	vld.idx.msk [tilespmem:v0+s30+$0xFFFFFFF0 ss:$0x1], $0xffff;
	_ =	sdelay $0x4  }
0x46: {  	v1 =	vand.u32 $0xFFFF0000, v1  }
0x47: {  	[tilespmem:s21+$0x30] =	vst v1  }
0x48: {  	v1 =	vld.idx.msk [tilespmem:v0+s30+$0x0 ss:$0x1], $0xffff;
	_ =	sdelay $0x4  }
0x49: {  	v1 =	vshll.u32 v1, $0x10  }
0x4a: {  	[tilespmem:s21+$0xFFFFFFC0] =	vst v1  }
0x4b: {  	v1 =	vld.idx.msk [tilespmem:v0+s30+$0x0 ss:$0x1], $0xffff;
	_ =	sdelay $0x4  }
0x4c: {  	v1 =	vand.u32 $0xFFFF0000, v1  }
0x4d: {  	[tilespmem:s21+$0x40] =	vst v1  }
0x4e: {  	v1 =	vld.idx.msk [tilespmem:v0+s30+$0x10 ss:$0x1], $0xffff;
	_ =	sdelay $0x4  }
0x4f: {  	v1 =	vshll.u32 v1, $0x10  }
0x50: {  	[tilespmem:s21+$0xFFFFFFD0] =	vst v1  }
0x51: {  	v1 =	vld.idx.msk [tilespmem:v0+s30+$0x10 ss:$0x1], $0xffff;
	_ =	sdelay $0x4  }
0x52: {  	v1 =	vand.u32 $0xFFFF0000, v1  }
0x53: {  	[tilespmem:s21+$0x50] =	vst v1  }
0x54: {  	v1 =	vld.idx.msk [tilespmem:v0+s30+$0x20 ss:$0x1], $0xffff;
	_ =	sdelay $0x4  }
0x55: {  	v1 =	vshll.u32 v1, $0x10  }
0x56: {  	[tilespmem:s21+$0xFFFFFFE0] =	vst v1  }
0x57: {  	v1 =	vld.idx.msk [tilespmem:v0+s30+$0x20 ss:$0x1], $0xffff;
	_ =	sdelay $0x4  }
0x58: {  	v1 =	vand.u32 $0xFFFF0000, v1  }
0x59: {  	[tilespmem:s21+$0x60] =	vst v1  }
0x5a: {  	v1 =	vld.idx.msk [tilespmem:v0+s30+$0x30 ss:$0x1], $0xffff;
	_ =	sdelay $0x4  }
0x5b: {  	v1 =	vshll.u32 v1, $0x10  }
0x5c: {  	[tilespmem:s21+$0xFFFFFFF0] =	vst v1  }
0x5d: {  	v1 =	vld.idx.msk [tilespmem:v0+s30+$0x30 ss:$0x1], $0xffff;
	_ =	sdelay $0x4  }
0x5e: {  	s31 =	sshll.u32 s18, $0xD;
	v1 =	vand.u32 $0xFFFF0000, v1  }
0x5f: {  	s22 =	simm.s32 $0x80;
	s23 =	simm.s32 $0x400;
	s20 =	sadd.s32 $0x13C00, s31;
	[tilespmem:s21+$0x70] =	vst v1  }
.LBB2_3:
0x60: {  	p2 =	sne.s32 s23, $0x3E00;
	v1 =	vld.idx.msk [tilespmem:v0+s22+$0xFFFFFFC0 ss:$0x1], $0xffff;
	_ =	sdelay $0x5  }
0x61: {  	s21 =	sadd.s32 $0x100, s21;
	v1 =	vshll.u32 v1, $0x10  }
0x62: {  	[tilespmem:s21+$0xFFFFFF80] =	vst v1  }
0x63: {  	v1 =	vld.idx.msk [tilespmem:v0+s22+$0xFFFFFFC0 ss:$0x1], $0xffff;
	_ =	sdelay $0x5  }
0x64: {  	v1 =	vand.u32 $0xFFFF0000, v1  }
0x65: {  	[tilespmem:s21+$0x0] =	vst v1  }
0x66: {  	v1 =	vld.idx.msk [tilespmem:v0+s22+$0xFFFFFFD0 ss:$0x1], $0xffff;
	_ =	sdelay $0x5  }
0x67: {  	v1 =	vshll.u32 v1, $0x10  }
0x68: {  	[tilespmem:s21+$0xFFFFFF90] =	vst v1  }
0x69: {  	v1 =	vld.idx.msk [tilespmem:v0+s22+$0xFFFFFFD0 ss:$0x1], $0xffff;
	_ =	sdelay $0x5  }
0x6a: {  	v1 =	vand.u32 $0xFFFF0000, v1  }
0x6b: {  	[tilespmem:s21+$0x10] =	vst v1  }
0x6c: {  	v1 =	vld.idx.msk [tilespmem:v0+s22+$0xFFFFFFE0 ss:$0x1], $0xffff;
	_ =	sdelay $0x5  }
0x6d: {  	v1 =	vshll.u32 v1, $0x10  }
0x6e: {  	[tilespmem:s21+$0xFFFFFFA0] =	vst v1  }
0x6f: {  	v1 =	vld.idx.msk [tilespmem:v0+s22+$0xFFFFFFE0 ss:$0x1], $0xffff;
	_ =	sdelay $0x5  }
0x70: {  	v1 =	vand.u32 $0xFFFF0000, v1  }
0x71: {  	[tilespmem:s21+$0x20] =	vst v1  }
0x72: {  	v1 =	vld.idx.msk [tilespmem:v0+s22+$0xFFFFFFF0 ss:$0x1], $0xffff;
	_ =	sdelay $0x5  }
0x73: {  	v1 =	vshll.u32 v1, $0x10  }
0x74: {  	[tilespmem:s21+$0xFFFFFFB0] =	vst v1  }
0x75: {  	v1 =	vld.idx.msk [tilespmem:v0+s22+$0xFFFFFFF0 ss:$0x1], $0xffff;
	_ =	sdelay $0x5  }
0x76: {  	v1 =	vand.u32 $0xFFFF0000, v1  }
0x77: {  	[tilespmem:s21+$0x30] =	vst v1  }
0x78: {  	v1 =	vld.idx.msk [tilespmem:v0+s22+$0x0 ss:$0x1], $0xffff;
	_ =	sdelay $0x5  }
0x79: {  	v1 =	vshll.u32 v1, $0x10  }
0x7a: {  	[tilespmem:s21+$0xFFFFFFC0] =	vst v1  }
0x7b: {  	v1 =	vld.idx.msk [tilespmem:v0+s22+$0x0 ss:$0x1], $0xffff;
	_ =	sdelay $0x5  }
0x7c: {  	v1 =	vand.u32 $0xFFFF0000, v1  }
0x7d: {  	[tilespmem:s21+$0x40] =	vst v1  }
0x7e: {  	v1 =	vld.idx.msk [tilespmem:v0+s22+$0x10 ss:$0x1], $0xffff;
	_ =	sdelay $0x5  }
0x7f: {  	v1 =	vshll.u32 v1, $0x10  }
0x80: {  	[tilespmem:s21+$0xFFFFFFD0] =	vst v1  }
0x81: {  	v1 =	vld.idx.msk [tilespmem:v0+s22+$0x10 ss:$0x1], $0xffff;
	_ =	sdelay $0x5  }
0x82: {  	v1 =	vand.u32 $0xFFFF0000, v1  }
0x83: {  	[tilespmem:s21+$0x50] =	vst v1  }
0x84: {  	v1 =	vld.idx.msk [tilespmem:v0+s22+$0x20 ss:$0x1], $0xffff;
	_ =	sdelay $0x5  }
0x85: {  	v1 =	vshll.u32 v1, $0x10  }
0x86: {  	[tilespmem:s21+$0xFFFFFFE0] =	vst v1  }
0x87: {  	v1 =	vld.idx.msk [tilespmem:v0+s22+$0x20 ss:$0x1], $0xffff;
	_ =	sdelay $0x5  }
0x88: {  	v1 =	vand.u32 $0xFFFF0000, v1  }
0x89: {  	[tilespmem:s21+$0x60] =	vst v1  }
0x8a: {  	v1 =	vld.idx.msk [tilespmem:v0+s22+$0x30 ss:$0x1], $0xffff;
	_ =	sdelay $0x5  }
0x8b: {  	v1 =	vshll.u32 v1, $0x10  }
0x8c: {  	[tilespmem:s21+$0xFFFFFFF0] =	vst v1  }
0x8d: {  	v1 =	vld.idx.msk [tilespmem:v0+s22+$0x30 ss:$0x1], $0xffff;
	_ =	sdelay $0x2  }
.Ltmp0:
0x8e: {  	(pc) =	sbr.rel @p2 .LBB2_3-.Ltmp0, $3  }
0x8f: {  	_ =	sdelay $0x1  }
0x90: {  	v1 =	vand.u32 $0xFFFF0000, v1  }
0x91: {  	s22 =	sshra.s32 s23, $0x2;
	s23 =	sadd.s32 $0x200, s23;
	[tilespmem:s21+$0x70] =	vst v1  }
0x92: {  	_ =	sdelay $0x3  }
0x93: {  	v1 =	vld.idx.msk [tilespmem:v0+s22+$0xFFFFFFC0 ss:$0x1], $0xffff;
	_ =	sdelay $0x4  }
0x94: {  	s21 =	sadd.s32 $0x100, s21;
	v1 =	vshll.u32 v1, $0x10  }
0x95: {  	[tilespmem:s21+$0xFFFFFF80] =	vst v1  }
0x96: {  	v1 =	vld.idx.msk [tilespmem:v0+s22+$0xFFFFFFC0 ss:$0x1], $0xffff;
	_ =	sdelay $0x4  }
0x97: {  	v1 =	vand.u32 $0xFFFF0000, v1  }
0x98: {  	[tilespmem:s21+$0x0] =	vst v1  }
0x99: {  	v1 =	vld.idx.msk [tilespmem:v0+s22+$0xFFFFFFD0 ss:$0x1], $0xffff;
	_ =	sdelay $0x4  }
0x9a: {  	v1 =	vshll.u32 v1, $0x10  }
0x9b: {  	[tilespmem:s21+$0xFFFFFF90] =	vst v1  }
0x9c: {  	v1 =	vld.idx.msk [tilespmem:v0+s22+$0xFFFFFFD0 ss:$0x1], $0xffff;
	_ =	sdelay $0x4  }
0x9d: {  	v1 =	vand.u32 $0xFFFF0000, v1  }
0x9e: {  	[tilespmem:s21+$0x10] =	vst v1  }
0x9f: {  	v1 =	vld.idx.msk [tilespmem:v0+s22+$0xFFFFFFE0 ss:$0x1], $0xffff;
	_ =	sdelay $0x4  }
0xa0: {  	v1 =	vshll.u32 v1, $0x10  }
0xa1: {  	[tilespmem:s21+$0xFFFFFFA0] =	vst v1  }
0xa2: {  	v1 =	vld.idx.msk [tilespmem:v0+s22+$0xFFFFFFE0 ss:$0x1], $0xffff;
	_ =	sdelay $0x4  }
0xa3: {  	v1 =	vand.u32 $0xFFFF0000, v1  }
0xa4: {  	[tilespmem:s21+$0x20] =	vst v1  }
0xa5: {  	v1 =	vld.idx.msk [tilespmem:v0+s22+$0xFFFFFFF0 ss:$0x1], $0xffff;
	_ =	sdelay $0x4  }
0xa6: {  	v1 =	vshll.u32 v1, $0x10  }
0xa7: {  	[tilespmem:s21+$0xFFFFFFB0] =	vst v1  }
0xa8: {  	v1 =	vld.idx.msk [tilespmem:v0+s22+$0xFFFFFFF0 ss:$0x1], $0xffff;
	_ =	sdelay $0x4  }
0xa9: {  	v1 =	vand.u32 $0xFFFF0000, v1  }
0xaa: {  	[tilespmem:s21+$0x30] =	vst v1  }
0xab: {  	v1 =	vld.idx.msk [tilespmem:v0+s22+$0x0 ss:$0x1], $0xffff;
	_ =	sdelay $0x4  }
0xac: {  	v1 =	vshll.u32 v1, $0x10  }
0xad: {  	[tilespmem:s21+$0xFFFFFFC0] =	vst v1  }
0xae: {  	v1 =	vld.idx.msk [tilespmem:v0+s22+$0x0 ss:$0x1], $0xffff;
	_ =	sdelay $0x4  }
0xaf: {  	v1 =	vand.u32 $0xFFFF0000, v1  }
0xb0: {  	[tilespmem:s21+$0x40] =	vst v1  }
0xb1: {  	v1 =	vld.idx.msk [tilespmem:v0+s22+$0x10 ss:$0x1], $0xffff;
	_ =	sdelay $0x4  }
0xb2: {  	v1 =	vshll.u32 v1, $0x10  }
0xb3: {  	[tilespmem:s21+$0xFFFFFFD0] =	vst v1  }
0xb4: {  	v1 =	vld.idx.msk [tilespmem:v0+s22+$0x10 ss:$0x1], $0xffff;
	_ =	sdelay $0x4  }
0xb5: {  	v1 =	vand.u32 $0xFFFF0000, v1  }
0xb6: {  	[tilespmem:s21+$0x50] =	vst v1  }
0xb7: {  	v1 =	vld.idx.msk [tilespmem:v0+s22+$0x20 ss:$0x1], $0xffff;
	_ =	sdelay $0x4  }
0xb8: {  	v1 =	vshll.u32 v1, $0x10  }
0xb9: {  	[tilespmem:s21+$0xFFFFFFE0] =	vst v1  }
0xba: {  	v1 =	vld.idx.msk [tilespmem:v0+s22+$0x20 ss:$0x1], $0xffff;
	_ =	sdelay $0x4  }
0xbb: {  	v1 =	vand.u32 $0xFFFF0000, v1  }
0xbc: {  	[tilespmem:s21+$0x60] =	vst v1  }
0xbd: {  	v1 =	vld.idx.msk [tilespmem:v0+s22+$0x30 ss:$0x1], $0xffff;
	_ =	sdelay $0x4  }
0xbe: {  	v1 =	vshll.u32 v1, $0x10  }
0xbf: {  	[tilespmem:s21+$0xFFFFFFF0] =	vst v1  }
0xc0: {  	v63 =	vld.idx.msk [tilespmem:v0+s22+$0x30 ss:$0x1], $0xffff;
	_ =	sdelay $0x1  }
0xc1: {  	p2 =	sne.s32 s17, $0x19  }
.Ltmp1:
0xc2: {  	_ = 	snop;
	(pc) =	sbr.rel @p2 .LBB2_2-.Ltmp1, $4  }
0xc3: {  	_ = 	snop  }
0xc4: {  	s19 =	sshll.u32 s19, $0xA;
	v0 =	vand.u32 $0xFFFF0000, v63  }
0xc5: {  	s18 =	sadd.s32 $0x3, s18;
	p1 =	por !p1, !p1;
	s19 =	sadd.s32 s1, s19;
	[tilespmem:s21+$0x70] =	vst v0  }
0xc6: {  	[hbm4b:s19+s3] =	stream.linear.scatter [tilespmem:s20], [sflag:s18], $0x2000, $0x38;
	[tilespmem:$0x17C00] =	vst v63  }
0xc7: {  	s16 =	sadd.s32 $0x1, s16  }
0xc8: {  	_ =	swait.ge [sflag:s14], $0x2000;
	p1 =	sne.s32 s16, s7  }
.Ltmp2:
0xc9: {  	[sflag:s14] =	ssyncset.done $0x0;
	(pc) =	sbr.rel @p1 .LBB2_1-.Ltmp2, $4  }
0xca: {  	[sflag:s14] =	ssyncadd.s32 $0xFFFFE000  }
0xcb: {  	_ =	swait.ge [sflag:s15], $0x2000  }
0xcc: {  	[sflag:s15] =	ssyncset.done $0x0  }
0xcd: {  	[sflag:s15] =	ssyncadd.s32 $0xFFFFE000  }
0xce: {  	_ =	sfence.sel $0x180000  }
0xcf: {  	[bflag:$0x0] =	sbarrier.arrive $0xFFFF  }
0xd0: {  	_ =	strace $0x90000047  }
0xd1: {  	s0 =	sadd.s32 @!p0 $0x100000, s0;
	[bflag:$0x2] =	sbarrier.arrive $0xFFFF  }
0xd2: {  	[sflag:s0] =	ssyncadd.tile.s32 @!p0 $0x1;
	_ =	shalt  }
.Lfunc_end2:
_tile_overlayer_lowered:
.L_overlay_start_2:
0xd3: {  	(tag) =	ssettag $0x2  }
0xd4: {  	s0 =	rddreg [dreg:$0x0];
	s2 =	stileid.u32  }
0xd5: {  	s1 =	rddreg [dreg:$0x1];
	p0 =	sne.s32 s2, $0x0  }
0xd6: {  	s3 =	rddreg [dreg:$0x2];
	[bflag:$0x3] =	sbarrier.arrive $0xFFFF;
	s2 =	simm.s32 @!p0 $0x1C05  }
0xd7: {  	[timem:s3], [sflag:s2] =	dma.local @!p0 [hbm:s0], s1  }
0xd8: {  	s0 =	simm.s32 @!p0 $0x5  }
0xd9: {  	_ =	swait.ge @!p0 [sflag:s0], s1  }
0xda: {  	s1 =	ssub.s32 @!p0 $0x0, s1;
	[sflag:s0] =	ssyncset.done @!p0 $0x0  }
0xdb: {  	[sflag:s0] =	ssyncadd.s32 @!p0 s1  }
0xdc: {  	[bflag:$0x3] =	sbarrier.arrive $0xFFFF  }
0xdd: {  	_ =	shalt  }

</sc_bundles>
